<compile_context>
chip_gen: v7x
topology: tpu7x:2x2x1
jax: 0.10.2.dev20260603
libtpu: 0.0.44.dev20260713+nightly
codegen_flags: <defaults>
</compile_context>

<pallas_src>
import functools

import jax
import jax.numpy as jnp
from jax import lax
from jax.experimental import pallas as pl
from jax.experimental.pallas import tpu as pltpu
from jax.experimental.pallas import tpu_sc as plsc

B, LD, LQ, V, D, NF = 4096, 200, 20, 1000000, 64, 4
W = NF + D
NC, NS = 2, 16
NW = NC * NS
CH = 512
KI = CH // 128
R1 = B * LD
R2 = B * LQ
Q1 = R1 // CH // NW
Q2 = R2 // CH // NW

_mesh = plsc.VectorSubcoreMesh(core_axis_name="c", subcore_axis_name="s")


def _gather_body(idx_hbm, tbl_hbm, out_hbm, idx_v, row_v, sem0, sem1, nq):
    wid = lax.axis_index("s") * NC + lax.axis_index("c")
    sems = (sem0, sem1)

    def fire(r0, p):
        pltpu.sync_copy(idx_hbm.at[pl.ds(r0, CH)], idx_v.at[p])
        for j in range(KI):
            pltpu.async_copy(
                tbl_hbm.at[idx_v.at[p, pl.ds(j * 128, 128)]],
                row_v.at[p, pl.ds(j * 128, 128)],
                sems[p],
            )

    def finish(q, p):
        for j in range(KI):
            pltpu.make_async_copy(
                tbl_hbm.at[idx_v.at[p, pl.ds(j * 128, 128)]],
                row_v.at[p, pl.ds(j * 128, 128)],
                sems[p],
            ).wait()
        pltpu.sync_copy(row_v.at[p], out_hbm.at[pl.ds(q * CH, CH)])

    q0 = wid * nq
    fire(q0 * CH, 0)

    def pair(t, carry):
        q = q0 + 2 * t
        fire((q + 1) * CH, 1)
        finish(q, 0)

        @pl.when(q + 2 < q0 + nq)
        def _():
            fire((q + 2) * CH, 0)

        finish(q + 1, 1)
        return carry

    lax.fori_loop(0, nq // 2, pair, 0)

    @pl.when(nq % 2 == 1)
    def _():
        finish(q0 + nq - 1, 0)


def _sc_gather(nrows, nq):
    return functools.partial(
        pl.kernel,
        mesh=_mesh,
        compiler_params=pltpu.CompilerParams(use_tc_tiling_on_sc=False,
                                             needs_layout_passes=True),
        out_type=jax.ShapeDtypeStruct((nrows, D), jnp.float32),
        scratch_types=[
            pltpu.VMEM((2, CH), jnp.int32),
            pltpu.VMEM((2, CH, D), jnp.float32),
            pltpu.SemaphoreType.DMA,
            pltpu.SemaphoreType.DMA,
        ],
    )(functools.partial(_gather_body, nq=nq))


_gather_x1 = _sc_gather(R1, Q1)
_gather_x2 = _sc_gather(R2, Q2)


def kernel(x1, x1_f, x1_pos, x1_ner, x1_mask, x2, x2_mask, sent_lens, emb_table):
    del x1_pos, x1_ner, x1_mask, x2_mask, sent_lens
    e1 = _gather_x1(x1.reshape(R1), emb_table)
    e2 = _gather_x2(x2.reshape(R2), emb_table)
    x1_all = jnp.concatenate([x1_f, e1.reshape(B, LD, D)], axis=-1)
    return x1_all, e2.reshape(B, LQ, D)

# --- scband reference (transcript-rebuilt; emitter-appended) ---
"""Pipeline reference for scband-rcmodel-proto-61125974557158 (READ-ONLY COPY).

The authoritative reference and input builder live on the scoring server;
editing this copy changes nothing except your own understanding.
"""

import jax, jax.numpy as jnp
import numpy as np

B, LD, LQ, V, D, NF = 4096, 200, 20, 1000000, 64, 4


def setup_inputs(seed: int = 0):
    key = jax.random.key(seed)
    ks = jax.random.split(key, 8)
    emb_table = jax.random.normal(ks[0], (V, D), dtype=jnp.float32) * 0.02
    emb_table = emb_table.at[0].set(0.0)  # padding_idx=0 row is zero in nn.Embedding
    x1 = jax.random.randint(ks[1], (B, LD), 0, V, dtype=jnp.int32)
    x1_f = jax.random.uniform(ks[2], (B, LD, NF), dtype=jnp.float32)
    x1_pos = jax.random.randint(ks[3], (B, LD), 0, 50, dtype=jnp.int32)
    x1_ner = jax.random.randint(ks[4], (B, LD), 0, 20, dtype=jnp.int32)
    x1_mask = jnp.zeros((B, LD), dtype=jnp.bool_)
    x2 = jax.random.randint(ks[5], (B, LQ), 0, V, dtype=jnp.int32)
    x2_mask = jnp.zeros((B, LQ), dtype=jnp.bool_)
    sent_lens = jax.random.randint(ks[6], (B,), 1, 200, dtype=jnp.int32)
    return {"x1": x1, "x1_f": x1_f, "x1_pos": x1_pos, "x1_ner": x1_ner, "x1_mask": x1_mask,
            "x2": x2, "x2_mask": x2_mask, "sent_lens": sent_lens, "emb_table": emb_table}


def reference(x1, x1_f, x1_pos, x1_ner, x1_mask, x2, x2_mask, sent_lens, emb_table):
    # forward_emb with opt: use_word_emb=True, no dropout (eval), no char/cove/feat-emb/qemb/demb.
    # x1_all_list = [x1_f, x1_emb]; x2_all_list = [x2_emb]
    x1_emb = jnp.take(emb_table, x1, axis=0)  # embedding lookup [B, LD, D]
    x2_emb = jnp.take(emb_table, x2, axis=0)  # embedding lookup [B, LQ, D]
    x1_all = jnp.concatenate([x1_f, x1_emb], axis=-1)  # [B, LD, NF+D]
    x2_all = x2_emb  # [B, LQ, D]
    return (x1_all, x2_all)

if __name__ == "__main__":
    import jax
    _d = setup_inputs()
    print(jax.jit(kernel)(*tuple(_d.values())))

</pallas_src>

<mosaic_0001>
#map = affine_map<(d0, d1) -> (0)>
#map1 = affine_map<(d0, d1) -> (0, 0)>
module attributes {stable_mosaic.version = 14 : i64} {
  func.func @_gather_body(%arg0: i32, %arg1: i32, %arg2: memref<819200xi32, #tpu.memory_space<hbm>>, %arg3: memref<1000000x64xf32, #tpu.memory_space<hbm>>, %arg4: memref<819200x64xf32, #tpu.memory_space<hbm>>, %arg5: memref<2x512xi32, #tpu.memory_space<vmem>>, %arg6: memref<2x512x64xf32, #tpu.memory_space<vmem>>, %arg7: memref<!tpu.dma_semaphore, #tpu.memory_space<semaphore_mem>>, %arg8: memref<!tpu.dma_semaphore, #tpu.memory_space<semaphore_mem>>) attributes {dimension_semantics = [#tpu.dimension_semantics<core_parallel>, #tpu.dimension_semantics<subcore_parallel>], iteration_bounds = array<i64: 2, 16>, scalar_prefetch = 0 : i64, scratch_operands = 4 : i64, tpu.core_type = #tpu.core_type<sc_vector_subcore>, window_params = [{transform_indices = #map}, {transform_indices = #map1}, {transform_indices = #map1}]} {
    %mul3A = arith.constant 2 : i32
    %mul3A_0 = arith.muli %arg1, %mul3A : i32
    %add3A = arith.addi %mul3A_0, %arg0 : i32
    %mul3A_1 = arith.constant 50 : i32
    %mul3A_2 = arith.muli %add3A, %mul3A_1 : i32
    %mul3A_3 = arith.constant 512 : i32
    %mul3A_4 = arith.muli %mul3A_2, %mul3A_3 : i32
    %run_scoped3A = arith.constant 0 : i32
    "tpu.region"() ({
      %run_scoped3A_57 = tpu.sem_alloc : memref<!tpu.dma_semaphore, #tpu.memory_space<semaphore_mem>>
      %dma_start3A_58 = arith.constant 0 : i32
      %dma_start3A_59 = tpu.memref_slice %arg5[%run_scoped3A, %dma_start3A_58] : memref<2x512xi32, #tpu.memory_space<vmem>> -> memref<1x512xi32, #tpu.memory_space<vmem>>
      %dma_start3A_60 = tpu.memref_squeeze %dma_start3A_59 : memref<1x512xi32, #tpu.memory_space<vmem>> -> memref<512xi32, #tpu.memory_space<vmem>>
      %dma_start3A_61 = tpu.memref_slice %arg2[%mul3A_4] : memref<819200xi32, #tpu.memory_space<hbm>> -> memref<512xi32, #tpu.memory_space<hbm>>
      %dma_start3A_62 = arith.constant 0 : i32
      %dma_start3A_63 = tpu.memref_slice %arg5[%run_scoped3A, %dma_start3A_62] : memref<2x512xi32, #tpu.memory_space<vmem>> -> memref<1x512xi32, #tpu.memory_space<vmem>>
      %dma_start3A_64 = tpu.memref_squeeze %dma_start3A_63 : memref<1x512xi32, #tpu.memory_space<vmem>> -> memref<512xi32, #tpu.memory_space<vmem>>
      %dma_start3A_65 = tpu.memref_slice %arg2[%mul3A_4] : memref<819200xi32, #tpu.memory_space<hbm>> -> memref<512xi32, #tpu.memory_space<hbm>>
      tpu.enqueue_dma source(%dma_start3A_65 : memref<512xi32, #tpu.memory_space<hbm>>) target(%dma_start3A_64 : memref<512xi32, #tpu.memory_space<vmem>>) target_semaphore(%run_scoped3A_57 : memref<!tpu.dma_semaphore, #tpu.memory_space<semaphore_mem>>)
      %dma_wait3A = arith.constant 0 : i32
      %dma_wait3A_66 = tpu.memref_slice %arg5[%run_scoped3A, %dma_wait3A] : memref<2x512xi32, #tpu.memory_space<vmem>> -> memref<1x512xi32, #tpu.memory_space<vmem>>
      %dma_wait3A_67 = tpu.memref_squeeze %dma_wait3A_66 : memref<1x512xi32, #tpu.memory_space<vmem>> -> memref<512xi32, #tpu.memory_space<vmem>>
      %dma_wait3A_68 = tpu.memref_slice %arg2[%mul3A_4] : memref<819200xi32, #tpu.memory_space<hbm>> -> memref<512xi32, #tpu.memory_space<hbm>>
      %dma_wait3A_69 = arith.constant 0 : i32
      %dma_wait3A_70 = tpu.memref_slice %arg5[%run_scoped3A, %dma_wait3A_69] : memref<2x512xi32, #tpu.memory_space<vmem>> -> memref<1x512xi32, #tpu.memory_space<vmem>>
      %dma_wait3A_71 = tpu.memref_squeeze %dma_wait3A_70 : memref<1x512xi32, #tpu.memory_space<vmem>> -> memref<512xi32, #tpu.memory_space<vmem>>
      %dma_wait3A_72 = tpu.memref_slice %arg2[%mul3A_4] : memref<819200xi32, #tpu.memory_space<hbm>> -> memref<512xi32, #tpu.memory_space<hbm>>
      tpu.wait_dma2 semaphore(%run_scoped3A_57 : memref<!tpu.dma_semaphore, #tpu.memory_space<semaphore_mem>>) src(%dma_wait3A_72 : memref<512xi32, #tpu.memory_space<hbm>>) dst(%dma_wait3A_71 : memref<512xi32, #tpu.memory_space<vmem>>)
      tpu.yield
    }) : () -> ()
    %dma_start3A = arith.constant 0 : i32
    %dma_start3A_5 = arith.constant 0 : i32
    %dma_start3A_6 = arith.constant 0 : i32
    %dma_start3A_7 = arith.constant 0 : i32
    %dma_start3A_8 = tpu.memref_slice %arg6[%dma_start3A_5, %dma_start3A_6, %dma_start3A_7] : memref<2x512x64xf32, #tpu.memory_space<vmem>> -> memref<1x128x64xf32, #tpu.memory_space<vmem>>
    %dma_start3A_9 = tpu.memref_squeeze %dma_start3A_8 : memref<1x128x64xf32, #tpu.memory_space<vmem>> -> memref<128x64xf32, #tpu.memory_space<vmem>>
    %dma_start3A_10 = arith.constant 0 : i32
    %dma_start3A_11 = tpu.memref_slice %arg5[%dma_start3A, %dma_start3A_10] : memref<2x512xi32, #tpu.memory_space<vmem>> -> memref<1x128xi32, #tpu.memory_space<vmem>>
    %dma_start3A_12 = tpu.memref_squeeze %dma_start3A_11 : memref<1x128xi32, #tpu.memory_space<vmem>> -> memref<128xi32, #tpu.memory_space<vmem>>
    %dma_start3A_13 = arith.constant 0 : i32
    %dma_start3A_14 = arith.constant 0 : i32
    %dma_start3A_15 = tpu.memref_slice %arg3[%dma_start3A_13, %dma_start3A_14] : memref<1000000x64xf32, #tpu.memory_space<hbm>> -> memref<1000000x64xf32, #tpu.memory_space<hbm>>
    tpu.enqueue_indirect_dma source(%dma_start3A_15 : memref<1000000x64xf32, #tpu.memory_space<hbm>>) target(%dma_start3A_9 : memref<128x64xf32, #tpu.memory_space<vmem>>) offsets(%dma_start3A_12 : memref<128xi32, #tpu.memory_space<vmem>>) semaphore(%arg7 : memref<!tpu.dma_semaphore, #tpu.memory_space<semaphore_mem>>)
    %dma_start3A_16 = arith.constant 0 : i32
    %dma_start3A_17 = arith.constant 0 : i32
    %dma_start3A_18 = arith.constant 128 : i32
    %dma_start3A_19 = arith.constant 0 : i32
    %dma_start3A_20 = tpu.memref_slice %arg6[%dma_start3A_17, %dma_start3A_18, %dma_start3A_19] : memref<2x512x64xf32, #tpu.memory_space<vmem>> -> memref<1x128x64xf32, #tpu.memory_space<vmem>>
    %dma_start3A_21 = tpu.memref_squeeze %dma_start3A_20 : memref<1x128x64xf32, #tpu.memory_space<vmem>> -> memref<128x64xf32, #tpu.memory_space<vmem>>
    %dma_start3A_22 = arith.constant 128 : i32
    %dma_start3A_23 = tpu.memref_slice %arg5[%dma_start3A_16, %dma_start3A_22] : memref<2x512xi32, #tpu.memory_space<vmem>> -> memref<1x128xi32, #tpu.memory_space<vmem>>
    %dma_start3A_24 = tpu.memref_squeeze %dma_start3A_23 : memref<1x128xi32, #tpu.memory_space<vmem>> -> memref<128xi32, #tpu.memory_space<vmem>>
    %dma_start3A_25 = arith.constant 0 : i32
    %dma_start3A_26 = arith.constant 0 : i32
    %dma_start3A_27 = tpu.memref_slice %arg3[%dma_start3A_25, %dma_start3A_26] : memref<1000000x64xf32, #tpu.memory_space<hbm>> -> memref<1000000x64xf32, #tpu.memory_space<hbm>>
    tpu.enqueue_indirect_dma source(%dma_start3A_27 : memref<1000000x64xf32, #tpu.memory_space<hbm>>) target(%dma_start3A_21 : memref<128x64xf32, #tpu.memory_space<vmem>>) offsets(%dma_start3A_24 : memref<128xi32, #tpu.memory_space<vmem>>) semaphore(%arg7 : memref<!tpu.dma_semaphore, #tpu.memory_space<semaphore_mem>>)
    %dma_start3A_28 = arith.constant 0 : i32
    %dma_start3A_29 = arith.constant 0 : i32
    %dma_start3A_30 = arith.constant 256 : i32
    %dma_start3A_31 = arith.constant 0 : i32
    %dma_start3A_32 = tpu.memref_slice %arg6[%dma_start3A_29, %dma_start3A_30, %dma_start3A_31] : memref<2x512x64xf32, #tpu.memory_space<vmem>> -> memref<1x128x64xf32, #tpu.memory_space<vmem>>
    %dma_start3A_33 = tpu.memref_squeeze %dma_start3A_32 : memref<1x128x64xf32, #tpu.memory_space<vmem>> -> memref<128x64xf32, #tpu.memory_space<vmem>>
    %dma_start3A_34 = arith.constant 256 : i32
    %dma_start3A_35 = tpu.memref_slice %arg5[%dma_start3A_28, %dma_start3A_34] : memref<2x512xi32, #tpu.memory_space<vmem>> -> memref<1x128xi32, #tpu.memory_space<vmem>>
    %dma_start3A_36 = tpu.memref_squeeze %dma_start3A_35 : memref<1x128xi32, #tpu.memory_space<vmem>> -> memref<128xi32, #tpu.memory_space<vmem>>
    %dma_start3A_37 = arith.constant 0 : i32
    %dma_start3A_38 = arith.constant 0 : i32
    %dma_start3A_39 = tpu.memref_slice %arg3[%dma_start3A_37, %dma_start3A_38] : memref<1000000x64xf32, #tpu.memory_space<hbm>> -> memref<1000000x64xf32, #tpu.memory_space<hbm>>
    tpu.enqueue_indirect_dma source(%dma_start3A_39 : memref<1000000x64xf32, #tpu.memory_space<hbm>>) target(%dma_start3A_33 : memref<128x64xf32, #tpu.memory_space<vmem>>) offsets(%dma_start3A_36 : memref<128xi32, #tpu.memory_space<vmem>>) semaphore(%arg7 : memref<!tpu.dma_semaphore, #tpu.memory_space<semaphore_mem>>)
    %dma_start3A_40 = arith.constant 0 : i32
    %dma_start3A_41 = arith.constant 0 : i32
    %dma_start3A_42 = arith.constant 384 : i32
    %dma_start3A_43 = arith.constant 0 : i32
    %dma_start3A_44 = tpu.memref_slice %arg6[%dma_start3A_41, %dma_start3A_42, %dma_start3A_43] : memref<2x512x64xf32, #tpu.memory_space<vmem>> -> memref<1x128x64xf32, #tpu.memory_space<vmem>>
    %dma_start3A_45 = tpu.memref_squeeze %dma_start3A_44 : memref<1x128x64xf32, #tpu.memory_space<vmem>> -> memref<128x64xf32, #tpu.memory_space<vmem>>
    %dma_start3A_46 = arith.constant 384 : i32
    %dma_start3A_47 = tpu.memref_slice %arg5[%dma_start3A_40, %dma_start3A_46] : memref<2x512xi32, #tpu.memory_space<vmem>> -> memref<1x128xi32, #tpu.memory_space<vmem>>
    %dma_start3A_48 = tpu.memref_squeeze %dma_start3A_47 : memref<1x128xi32, #tpu.memory_space<vmem>> -> memref<128xi32, #tpu.memory_space<vmem>>
    %dma_start3A_49 = arith.constant 0 : i32
    %dma_start3A_50 = arith.constant 0 : i32
    %dma_start3A_51 = tpu.memref_slice %arg3[%dma_start3A_49, %dma_start3A_50] : memref<1000000x64xf32, #tpu.memory_space<hbm>> -> memref<1000000x64xf32, #tpu.memory_space<hbm>>
    tpu.enqueue_indirect_dma source(%dma_start3A_51 : memref<1000000x64xf32, #tpu.memory_space<hbm>>) target(%dma_start3A_45 : memref<128x64xf32, #tpu.memory_space<vmem>>) offsets(%dma_start3A_48 : memref<128xi32, #tpu.memory_space<vmem>>) semaphore(%arg7 : memref<!tpu.dma_semaphore, #tpu.memory_space<semaphore_mem>>)
    %scan3A = arith.constant 0 : i32
    %scan3A_52 = arith.constant 0 : i32
    %scan3A_53 = arith.constant 25 : i32
    %scan3A_54 = arith.addi %scan3A_52, %scan3A_53 : i32
    %scan3A_55 = arith.constant 1 : i32
    scf.for %scan3A_57 = %scan3A_52 to %scan3A_54 step %scan3A_55  : i32 {
      %mul3A_58 = arith.constant 2 : i32
      %mul3A_59 = arith.muli %mul3A_58, %scan3A_57 : i32
      %add3A_60 = arith.addi %mul3A_2, %mul3A_59 : i32
      %add3A_61 = arith.constant 1 : i32
      %add3A_62 = arith.addi %add3A_60, %add3A_61 : i32
      %mul3A_63 = arith.constant 512 : i32
      %mul3A_64 = arith.muli %add3A_62, %mul3A_63 : i32
      %run_scoped3A_65 = arith.constant 1 : i32
      "tpu.region"() ({
        %run_scoped3A_222 = tpu.sem_alloc : memref<!tpu.dma_semaphore, #tpu.memory_space<semaphore_mem>>
        %dma_start3A_223 = arith.constant 0 : i32
        %dma_start3A_224 = tpu.memref_slice %arg5[%run_scoped3A_65, %dma_start3A_223] : memref<2x512xi32, #tpu.memory_space<vmem>> -> memref<1x512xi32, #tpu.memory_space<vmem>>
        %dma_start3A_225 = tpu.memref_squeeze %dma_start3A_224 : memref<1x512xi32, #tpu.memory_space<vmem>> -> memref<512xi32, #tpu.memory_space<vmem>>
        %dma_start3A_226 = tpu.memref_slice %arg2[%mul3A_64] : memref<819200xi32, #tpu.memory_space<hbm>> -> memref<512xi32, #tpu.memory_space<hbm>>
        %dma_start3A_227 = arith.constant 0 : i32
        %dma_start3A_228 = tpu.memref_slice %arg5[%run_scoped3A_65, %dma_start3A_227] : memref<2x512xi32, #tpu.memory_space<vmem>> -> memref<1x512xi32, #tpu.memory_space<vmem>>
        %dma_start3A_229 = tpu.memref_squeeze %dma_start3A_228 : memref<1x512xi32, #tpu.memory_space<vmem>> -> memref<512xi32, #tpu.memory_space<vmem>>
        %dma_start3A_230 = tpu.memref_slice %arg2[%mul3A_64] : memref<819200xi32, #tpu.memory_space<hbm>> -> memref<512xi32, #tpu.memory_space<hbm>>
        tpu.enqueue_dma source(%dma_start3A_230 : memref<512xi32, #tpu.memory_space<hbm>>) target(%dma_start3A_229 : memref<512xi32, #tpu.memory_space<vmem>>) target_semaphore(%run_scoped3A_222 : memref<!tpu.dma_semaphore, #tpu.memory_space<semaphore_mem>>)
        %dma_wait3A_231 = arith.constant 0 : i32
        %dma_wait3A_232 = tpu.memref_slice %arg5[%run_scoped3A_65, %dma_wait3A_231] : memref<2x512xi32, #tpu.memory_space<vmem>> -> memref<1x512xi32, #tpu.memory_space<vmem>>
        %dma_wait3A_233 = tpu.memref_squeeze %dma_wait3A_232 : memref<1x512xi32, #tpu.memory_space<vmem>> -> memref<512xi32, #tpu.memory_space<vmem>>
        %dma_wait3A_234 = tpu.memref_slice %arg2[%mul3A_64] : memref<819200xi32, #tpu.memory_space<hbm>> -> memref<512xi32, #tpu.memory_space<hbm>>
        %dma_wait3A_235 = arith.constant 0 : i32
        %dma_wait3A_236 = tpu.memref_slice %arg5[%run_scoped3A_65, %dma_wait3A_235] : memref<2x512xi32, #tpu.memory_space<vmem>> -> memref<1x512xi32, #tpu.memory_space<vmem>>
        %dma_wait3A_237 = tpu.memref_squeeze %dma_wait3A_236 : memref<1x512xi32, #tpu.memory_space<vmem>> -> memref<512xi32, #tpu.memory_space<vmem>>
        %dma_wait3A_238 = tpu.memref_slice %arg2[%mul3A_64] : memref<819200xi32, #tpu.memory_space<hbm>> -> memref<512xi32, #tpu.memory_space<hbm>>
        tpu.wait_dma2 semaphore(%run_scoped3A_222 : memref<!tpu.dma_semaphore, #tpu.memory_space<semaphore_mem>>) src(%dma_wait3A_238 : memref<512xi32, #tpu.memory_space<hbm>>) dst(%dma_wait3A_237 : memref<512xi32, #tpu.memory_space<vmem>>)
        tpu.yield
      }) : () -> ()
      %dma_start3A_66 = arith.constant 1 : i32
      %dma_start3A_67 = arith.constant 1 : i32
      %dma_start3A_68 = arith.constant 0 : i32
      %dma_start3A_69 = arith.constant 0 : i32
      %dma_start3A_70 = tpu.memref_slice %arg6[%dma_start3A_67, %dma_start3A_68, %dma_start3A_69] : memref<2x512x64xf32, #tpu.memory_space<vmem>> -> memref<1x128x64xf32, #tpu.memory_space<vmem>>
      %dma_start3A_71 = tpu.memref_squeeze %dma_start3A_70 : memref<1x128x64xf32, #tpu.memory_space<vmem>> -> memref<128x64xf32, #tpu.memory_space<vmem>>
      %dma_start3A_72 = arith.constant 0 : i32
      %dma_start3A_73 = tpu.memref_slice %arg5[%dma_start3A_66, %dma_start3A_72] : memref<2x512xi32, #tpu.memory_space<vmem>> -> memref<1x128xi32, #tpu.memory_space<vmem>>
      %dma_start3A_74 = tpu.memref_squeeze %dma_start3A_73 : memref<1x128xi32, #tpu.memory_space<vmem>> -> memref<128xi32, #tpu.memory_space<vmem>>
      %dma_start3A_75 = arith.constant 0 : i32
      %dma_start3A_76 = arith.constant 0 : i32
      %dma_start3A_77 = tpu.memref_slice %arg3[%dma_start3A_75, %dma_start3A_76] : memref<1000000x64xf32, #tpu.memory_space<hbm>> -> memref<1000000x64xf32, #tpu.memory_space<hbm>>
      tpu.enqueue_indirect_dma source(%dma_start3A_77 : memref<1000000x64xf32, #tpu.memory_space<hbm>>) target(%dma_start3A_71 : memref<128x64xf32, #tpu.memory_space<vmem>>) offsets(%dma_start3A_74 : memref<128xi32, #tpu.memory_space<vmem>>) semaphore(%arg8 : memref<!tpu.dma_semaphore, #tpu.memory_space<semaphore_mem>>)
      %dma_start3A_78 = arith.constant 1 : i32
      %dma_start3A_79 = arith.constant 1 : i32
      %dma_start3A_80 = arith.constant 128 : i32
      %dma_start3A_81 = arith.constant 0 : i32
      %dma_start3A_82 = tpu.memref_slice %arg6[%dma_start3A_79, %dma_start3A_80, %dma_start3A_81] : memref<2x512x64xf32, #tpu.memory_space<vmem>> -> memref<1x128x64xf32, #tpu.memory_space<vmem>>
      %dma_start3A_83 = tpu.memref_squeeze %dma_start3A_82 : memref<1x128x64xf32, #tpu.memory_space<vmem>> -> memref<128x64xf32, #tpu.memory_space<vmem>>
      %dma_start3A_84 = arith.constant 128 : i32
      %dma_start3A_85 = tpu.memref_slice %arg5[%dma_start3A_78, %dma_start3A_84] : memref<2x512xi32, #tpu.memory_space<vmem>> -> memref<1x128xi32, #tpu.memory_space<vmem>>
      %dma_start3A_86 = tpu.memref_squeeze %dma_start3A_85 : memref<1x128xi32, #tpu.memory_space<vmem>> -> memref<128xi32, #tpu.memory_space<vmem>>
      %dma_start3A_87 = arith.constant 0 : i32
      %dma_start3A_88 = arith.constant 0 : i32
      %dma_start3A_89 = tpu.memref_slice %arg3[%dma_start3A_87, %dma_start3A_88] : memref<1000000x64xf32, #tpu.memory_space<hbm>> -> memref<1000000x64xf32, #tpu.memory_space<hbm>>
      tpu.enqueue_indirect_dma source(%dma_start3A_89 : memref<1000000x64xf32, #tpu.memory_space<hbm>>) target(%dma_start3A_83 : memref<128x64xf32, #tpu.memory_space<vmem>>) offsets(%dma_start3A_86 : memref<128xi32, #tpu.memory_space<vmem>>) semaphore(%arg8 : memref<!tpu.dma_semaphore, #tpu.memory_space<semaphore_mem>>)
      %dma_start3A_90 = arith.constant 1 : i32
      %dma_start3A_91 = arith.constant 1 : i32
      %dma_start3A_92 = arith.constant 256 : i32
      %dma_start3A_93 = arith.constant 0 : i32
      %dma_start3A_94 = tpu.memref_slice %arg6[%dma_start3A_91, %dma_start3A_92, %dma_start3A_93] : memref<2x512x64xf32, #tpu.memory_space<vmem>> -> memref<1x128x64xf32, #tpu.memory_space<vmem>>
      %dma_start3A_95 = tpu.memref_squeeze %dma_start3A_94 : memref<1x128x64xf32, #tpu.memory_space<vmem>> -> memref<128x64xf32, #tpu.memory_space<vmem>>
      %dma_start3A_96 = arith.constant 256 : i32
      %dma_start3A_97 = tpu.memref_slice %arg5[%dma_start3A_90, %dma_start3A_96] : memref<2x512xi32, #tpu.memory_space<vmem>> -> memref<1x128xi32, #tpu.memory_space<vmem>>
      %dma_start3A_98 = tpu.memref_squeeze %dma_start3A_97 : memref<1x128xi32, #tpu.memory_space<vmem>> -> memref<128xi32, #tpu.memory_space<vmem>>
      %dma_start3A_99 = arith.constant 0 : i32
      %dma_start3A_100 = arith.constant 0 : i32
      %dma_start3A_101 = tpu.memref_slice %arg3[%dma_start3A_99, %dma_start3A_100] : memref<1000000x64xf32, #tpu.memory_space<hbm>> -> memref<1000000x64xf32, #tpu.memory_space<hbm>>
      tpu.enqueue_indirect_dma source(%dma_start3A_101 : memref<1000000x64xf32, #tpu.memory_space<hbm>>) target(%dma_start3A_95 : memref<128x64xf32, #tpu.memory_space<vmem>>) offsets(%dma_start3A_98 : memref<128xi32, #tpu.memory_space<vmem>>) semaphore(%arg8 : memref<!tpu.dma_semaphore, #tpu.memory_space<semaphore_mem>>)
      %dma_start3A_102 = arith.constant 1 : i32
      %dma_start3A_103 = arith.constant 1 : i32
      %dma_start3A_104 = arith.constant 384 : i32
      %dma_start3A_105 = arith.constant 0 : i32
      %dma_start3A_106 = tpu.memref_slice %arg6[%dma_start3A_103, %dma_start3A_104, %dma_start3A_105] : memref<2x512x64xf32, #tpu.memory_space<vmem>> -> memref<1x128x64xf32, #tpu.memory_space<vmem>>
      %dma_start3A_107 = tpu.memref_squeeze %dma_start3A_106 : memref<1x128x64xf32, #tpu.memory_space<vmem>> -> memref<128x64xf32, #tpu.memory_space<vmem>>
      %dma_start3A_108 = arith.constant 384 : i32
      %dma_start3A_109 = tpu.memref_slice %arg5[%dma_start3A_102, %dma_start3A_108] : memref<2x512xi32, #tpu.memory_space<vmem>> -> memref<1x128xi32, #tpu.memory_space<vmem>>
      %dma_start3A_110 = tpu.memref_squeeze %dma_start3A_109 : memref<1x128xi32, #tpu.memory_space<vmem>> -> memref<128xi32, #tpu.memory_space<vmem>>
      %dma_start3A_111 = arith.constant 0 : i32
      %dma_start3A_112 = arith.constant 0 : i32
      %dma_start3A_113 = tpu.memref_slice %arg3[%dma_start3A_111, %dma_start3A_112] : memref<1000000x64xf32, #tpu.memory_space<hbm>> -> memref<1000000x64xf32, #tpu.memory_space<hbm>>
      tpu.enqueue_indirect_dma source(%dma_start3A_113 : memref<1000000x64xf32, #tpu.memory_space<hbm>>) target(%dma_start3A_107 : memref<128x64xf32, #tpu.memory_space<vmem>>) offsets(%dma_start3A_110 : memref<128xi32, #tpu.memory_space<vmem>>) semaphore(%arg8 : memref<!tpu.dma_semaphore, #tpu.memory_space<semaphore_mem>>)
      %dma_wait3A = arith.constant 0 : i32
      %dma_wait3A_114 = arith.constant 0 : i32
      %dma_wait3A_115 = arith.constant 0 : i32
      %dma_wait3A_116 = arith.constant 0 : i32
      %dma_wait3A_117 = tpu.memref_slice %arg6[%dma_wait3A_114, %dma_wait3A_115, %dma_wait3A_116] : memref<2x512x64xf32, #tpu.memory_space<vmem>> -> memref<1x128x64xf32, #tpu.memory_space<vmem>>
      %dma_wait3A_118 = tpu.memref_squeeze %dma_wait3A_117 : memref<1x128x64xf32, #tpu.memory_space<vmem>> -> memref<128x64xf32, #tpu.memory_space<vmem>>
      %dma_wait3A_119 = arith.constant 0 : i32
      %dma_wait3A_120 = tpu.memref_slice %arg5[%dma_wait3A, %dma_wait3A_119] : memref<2x512xi32, #tpu.memory_space<vmem>> -> memref<1x128xi32, #tpu.memory_space<vmem>>
      %dma_wait3A_121 = tpu.memref_squeeze %dma_wait3A_120 : memref<1x128xi32, #tpu.memory_space<vmem>> -> memref<128xi32, #tpu.memory_space<vmem>>
      %dma_wait3A_122 = arith.constant 0 : i32
      %dma_wait3A_123 = arith.constant 0 : i32
      %dma_wait3A_124 = tpu.memref_slice %arg3[%dma_wait3A_122, %dma_wait3A_123] : memref<1000000x64xf32, #tpu.memory_space<hbm>> -> memref<1000000x64xf32, #tpu.memory_space<hbm>>
      tpu.wait_indirect_dma semaphore(%arg7 : memref<!tpu.dma_semaphore, #tpu.memory_space<semaphore_mem>>) src(%dma_wait3A_124 : memref<1000000x64xf32, #tpu.memory_space<hbm>>) dst(%dma_wait3A_118 : memref<128x64xf32, #tpu.memory_space<vmem>>)
      %dma_wait3A_125 = arith.constant 0 : i32
      %dma_wait3A_126 = arith.constant 0 : i32
      %dma_wait3A_127 = arith.constant 128 : i32
      %dma_wait3A_128 = arith.constant 0 : i32
      %dma_wait3A_129 = tpu.memref_slice %arg6[%dma_wait3A_126, %dma_wait3A_127, %dma_wait3A_128] : memref<2x512x64xf32, #tpu.memory_space<vmem>> -> memref<1x128x64xf32, #tpu.memory_space<vmem>>
      %dma_wait3A_130 = tpu.memref_squeeze %dma_wait3A_129 : memref<1x128x64xf32, #tpu.memory_space<vmem>> -> memref<128x64xf32, #tpu.memory_space<vmem>>
      %dma_wait3A_131 = arith.constant 128 : i32
      %dma_wait3A_132 = tpu.memref_slice %arg5[%dma_wait3A_125, %dma_wait3A_131] : memref<2x512xi32, #tpu.memory_space<vmem>> -> memref<1x128xi32, #tpu.memory_space<vmem>>
      %dma_wait3A_133 = tpu.memref_squeeze %dma_wait3A_132 : memref<1x128xi32, #tpu.memory_space<vmem>> -> memref<128xi32, #tpu.memory_space<vmem>>
      %dma_wait3A_134 = arith.constant 0 : i32
      %dma_wait3A_135 = arith.constant 0 : i32
      %dma_wait3A_136 = tpu.memref_slice %arg3[%dma_wait3A_134, %dma_wait3A_135] : memref<1000000x64xf32, #tpu.memory_space<hbm>> -> memref<1000000x64xf32, #tpu.memory_space<hbm>>
      tpu.wait_indirect_dma semaphore(%arg7 : memref<!tpu.dma_semaphore, #tpu.memory_space<semaphore_mem>>) src(%dma_wait3A_136 : memref<1000000x64xf32, #tpu.memory_space<hbm>>) dst(%dma_wait3A_130 : memref<128x64xf32, #tpu.memory_space<vmem>>)
      %dma_wait3A_137 = arith.constant 0 : i32
      %dma_wait3A_138 = arith.constant 0 : i32
      %dma_wait3A_139 = arith.constant 256 : i32
      %dma_wait3A_140 = arith.constant 0 : i32
      %dma_wait3A_141 = tpu.memref_slice %arg6[%dma_wait3A_138, %dma_wait3A_139, %dma_wait3A_140] : memref<2x512x64xf32, #tpu.memory_space<vmem>> -> memref<1x128x64xf32, #tpu.memory_space<vmem>>
      %dma_wait3A_142 = tpu.memref_squeeze %dma_wait3A_141 : memref<1x128x64xf32, #tpu.memory_space<vmem>> -> memref<128x64xf32, #tpu.memory_space<vmem>>
      %dma_wait3A_143 = arith.constant 256 : i32
      %dma_wait3A_144 = tpu.memref_slice %arg5[%dma_wait3A_137, %dma_wait3A_143] : memref<2x512xi32, #tpu.memory_space<vmem>> -> memref<1x128xi32, #tpu.memory_space<vmem>>
      %dma_wait3A_145 = tpu.memref_squeeze %dma_wait3A_144 : memref<1x128xi32, #tpu.memory_space<vmem>> -> memref<128xi32, #tpu.memory_space<vmem>>
      %dma_wait3A_146 = arith.constant 0 : i32
      %dma_wait3A_147 = arith.constant 0 : i32
      %dma_wait3A_148 = tpu.memref_slice %arg3[%dma_wait3A_146, %dma_wait3A_147] : memref<1000000x64xf32, #tpu.memory_space<hbm>> -> memref<1000000x64xf32, #tpu.memory_space<hbm>>
      tpu.wait_indirect_dma semaphore(%arg7 : memref<!tpu.dma_semaphore, #tpu.memory_space<semaphore_mem>>) src(%dma_wait3A_148 : memref<1000000x64xf32, #tpu.memory_space<hbm>>) dst(%dma_wait3A_142 : memref<128x64xf32, #tpu.memory_space<vmem>>)
      %dma_wait3A_149 = arith.constant 0 : i32
      %dma_wait3A_150 = arith.constant 0 : i32
      %dma_wait3A_151 = arith.constant 384 : i32
      %dma_wait3A_152 = arith.constant 0 : i32
      %dma_wait3A_153 = tpu.memref_slice %arg6[%dma_wait3A_150, %dma_wait3A_151, %dma_wait3A_152] : memref<2x512x64xf32, #tpu.memory_space<vmem>> -> memref<1x128x64xf32, #tpu.memory_space<vmem>>
      %dma_wait3A_154 = tpu.memref_squeeze %dma_wait3A_153 : memref<1x128x64xf32, #tpu.memory_space<vmem>> -> memref<128x64xf32, #tpu.memory_space<vmem>>
      %dma_wait3A_155 = arith.constant 384 : i32
      %dma_wait3A_156 = tpu.memref_slice %arg5[%dma_wait3A_149, %dma_wait3A_155] : memref<2x512xi32, #tpu.memory_space<vmem>> -> memref<1x128xi32, #tpu.memory_space<vmem>>
      %dma_wait3A_157 = tpu.memref_squeeze %dma_wait3A_156 : memref<1x128xi32, #tpu.memory_space<vmem>> -> memref<128xi32, #tpu.memory_space<vmem>>
      %dma_wait3A_158 = arith.constant 0 : i32
      %dma_wait3A_159 = arith.constant 0 : i32
      %dma_wait3A_160 = tpu.memref_slice %arg3[%dma_wait3A_158, %dma_wait3A_159] : memref<1000000x64xf32, #tpu.memory_space<hbm>> -> memref<1000000x64xf32, #tpu.memory_space<hbm>>
      tpu.wait_indirect_dma semaphore(%arg7 : memref<!tpu.dma_semaphore, #tpu.memory_space<semaphore_mem>>) src(%dma_wait3A_160 : memref<1000000x64xf32, #tpu.memory_space<hbm>>) dst(%dma_wait3A_154 : memref<128x64xf32, #tpu.memory_space<vmem>>)
      %mul3A_161 = arith.constant 512 : i32
      %mul3A_162 = arith.muli %add3A_60, %mul3A_161 : i32
      %run_scoped3A_163 = arith.constant 0 : i32
      "tpu.region"() ({
        %run_scoped3A_222 = tpu.sem_alloc : memref<!tpu.dma_semaphore, #tpu.memory_space<semaphore_mem>>
        %dma_start3A_223 = arith.constant 0 : i32
        %dma_start3A_224 = arith.constant 0 : i32
        %dma_start3A_225 = tpu.memref_slice %arg6[%run_scoped3A_163, %dma_start3A_223, %dma_start3A_224] : memref<2x512x64xf32, #tpu.memory_space<vmem>> -> memref<1x512x64xf32, #tpu.memory_space<vmem>>
        %dma_start3A_226 = tpu.memref_squeeze %dma_start3A_225 : memref<1x512x64xf32, #tpu.memory_space<vmem>> -> memref<512x64xf32, #tpu.memory_space<vmem>>
        %dma_start3A_227 = arith.constant 0 : i32
        %dma_start3A_228 = tpu.memref_slice %arg4[%mul3A_162, %dma_start3A_227] : memref<819200x64xf32, #tpu.memory_space<hbm>> -> memref<512x64xf32, #tpu.memory_space<hbm>>
        %dma_start3A_229 = arith.constant 0 : i32
        %dma_start3A_230 = tpu.memref_slice %arg4[%mul3A_162, %dma_start3A_229] : memref<819200x64xf32, #tpu.memory_space<hbm>> -> memref<512x64xf32, #tpu.memory_space<hbm>>
        %dma_start3A_231 = arith.constant 0 : i32
        %dma_start3A_232 = arith.constant 0 : i32
        %dma_start3A_233 = tpu.memref_slice %arg6[%run_scoped3A_163, %dma_start3A_231, %dma_start3A_232] : memref<2x512x64xf32, #tpu.memory_space<vmem>> -> memref<1x512x64xf32, #tpu.memory_space<vmem>>
        %dma_start3A_234 = tpu.memref_squeeze %dma_start3A_233 : memref<1x512x64xf32, #tpu.memory_space<vmem>> -> memref<512x64xf32, #tpu.memory_space<vmem>>
        tpu.enqueue_dma source(%dma_start3A_234 : memref<512x64xf32, #tpu.memory_space<vmem>>) target(%dma_start3A_230 : memref<512x64xf32, #tpu.memory_space<hbm>>) target_semaphore(%run_scoped3A_222 : memref<!tpu.dma_semaphore, #tpu.memory_space<semaphore_mem>>)
        %dma_wait3A_235 = arith.constant 0 : i32
        %dma_wait3A_236 = arith.constant 0 : i32
        %dma_wait3A_237 = tpu.memref_slice %arg6[%run_scoped3A_163, %dma_wait3A_235, %dma_wait3A_236] : memref<2x512x64xf32, #tpu.memory_space<vmem>> -> memref<1x512x64xf32, #tpu.memory_space<vmem>>
        %dma_wait3A_238 = tpu.memref_squeeze %dma_wait3A_237 : memref<1x512x64xf32, #tpu.memory_space<vmem>> -> memref<512x64xf32, #tpu.memory_space<vmem>>
        %dma_wait3A_239 = arith.constant 0 : i32
        %dma_wait3A_240 = tpu.memref_slice %arg4[%mul3A_162, %dma_wait3A_239] : memref<819200x64xf32, #tpu.memory_space<hbm>> -> memref<512x64xf32, #tpu.memory_space<hbm>>
        %dma_wait3A_241 = arith.constant 0 : i32
        %dma_wait3A_242 = tpu.memref_slice %arg4[%mul3A_162, %dma_wait3A_241] : memref<819200x64xf32, #tpu.memory_space<hbm>> -> memref<512x64xf32, #tpu.memory_space<hbm>>
        %dma_wait3A_243 = arith.constant 0 : i32
        %dma_wait3A_244 = arith.constant 0 : i32
        %dma_wait3A_245 = tpu.memref_slice %arg6[%run_scoped3A_163, %dma_wait3A_243, %dma_wait3A_244] : memref<2x512x64xf32, #tpu.memory_space<vmem>> -> memref<1x512x64xf32, #tpu.memory_space<vmem>>
        %dma_wait3A_246 = tpu.memref_squeeze %dma_wait3A_245 : memref<1x512x64xf32, #tpu.memory_space<vmem>> -> memref<512x64xf32, #tpu.memory_space<vmem>>
        tpu.wait_dma2 semaphore(%run_scoped3A_222 : memref<!tpu.dma_semaphore, #tpu.memory_space<semaphore_mem>>) src(%dma_wait3A_246 : memref<512x64xf32, #tpu.memory_space<vmem>>) dst(%dma_wait3A_242 : memref<512x64xf32, #tpu.memory_space<hbm>>)
        tpu.yield
      }) : () -> ()
      %add3A_164 = arith.constant 2 : i32
      %add3A_165 = arith.addi %add3A_60, %add3A_164 : i32
      %add3A_166 = arith.constant 50 : i32
      %add3A_167 = arith.addi %mul3A_2, %add3A_166 : i32
      %lt3A = arith.cmpi slt, %add3A_165, %add3A_167 : i32
      %convert_element_type3A = arith.extui %lt3A : i1 to i32
      %cond3A = arith.constant 0 : i32
      %cond3A_168 = arith.cmpi ne, %convert_element_type3A, %cond3A : i32
      scf.if %cond3A_168 {
        %add3A_222 = arith.constant 2 : i32
        %add3A_223 = arith.addi %add3A_60, %add3A_222 : i32
        %mul3A_224 = arith.constant 512 : i32
        %mul3A_225 = arith.muli %add3A_223, %mul3A_224 : i32
        %run_scoped3A_226 = arith.constant 0 : i32
        "tpu.region"() ({
          %run_scoped3A_275 = tpu.sem_alloc : memref<!tpu.dma_semaphore, #tpu.memory_space<semaphore_mem>>
          %dma_start3A_276 = arith.constant 0 : i32
          %dma_start3A_277 = tpu.memref_slice %arg5[%run_scoped3A_226, %dma_start3A_276] : memref<2x512xi32, #tpu.memory_space<vmem>> -> memref<1x512xi32, #tpu.memory_space<vmem>>
          %dma_start3A_278 = tpu.memref_squeeze %dma_start3A_277 : memref<1x512xi32, #tpu.memory_space<vmem>> -> memref<512xi32, #tpu.memory_space<vmem>>
          %dma_start3A_279 = tpu.memref_slice %arg2[%mul3A_225] : memref<819200xi32, #tpu.memory_space<hbm>> -> memref<512xi32, #tpu.memory_space<hbm>>
          %dma_start3A_280 = arith.constant 0 : i32
          %dma_start3A_281 = tpu.memref_slice %arg5[%run_scoped3A_226, %dma_start3A_280] : memref<2x512xi32, #tpu.memory_space<vmem>> -> memref<1x512xi32, #tpu.memory_space<vmem>>
          %dma_start3A_282 = tpu.memref_squeeze %dma_start3A_281 : memref<1x512xi32, #tpu.memory_space<vmem>> -> memref<512xi32, #tpu.memory_space<vmem>>
          %dma_start3A_283 = tpu.memref_slice %arg2[%mul3A_225] : memref<819200xi32, #tpu.memory_space<hbm>> -> memref<512xi32, #tpu.memory_space<hbm>>
          tpu.enqueue_dma source(%dma_start3A_283 : memref<512xi32, #tpu.memory_space<hbm>>) target(%dma_start3A_282 : memref<512xi32, #tpu.memory_space<vmem>>) target_semaphore(%run_scoped3A_275 : memref<!tpu.dma_semaphore, #tpu.memory_space<semaphore_mem>>)
          %dma_wait3A_284 = arith.constant 0 : i32
          %dma_wait3A_285 = tpu.memref_slice %arg5[%run_scoped3A_226, %dma_wait3A_284] : memref<2x512xi32, #tpu.memory_space<vmem>> -> memref<1x512xi32, #tpu.memory_space<vmem>>
          %dma_wait3A_286 = tpu.memref_squeeze %dma_wait3A_285 : memref<1x512xi32, #tpu.memory_space<vmem>> -> memref<512xi32, #tpu.memory_space<vmem>>
          %dma_wait3A_287 = tpu.memref_slice %arg2[%mul3A_225] : memref<819200xi32, #tpu.memory_space<hbm>> -> memref<512xi32, #tpu.memory_space<hbm>>
          %dma_wait3A_288 = arith.constant 0 : i32
          %dma_wait3A_289 = tpu.memref_slice %arg5[%run_scoped3A_226, %dma_wait3A_288] : memref<2x512xi32, #tpu.memory_space<vmem>> -> memref<1x512xi32, #tpu.memory_space<vmem>>
          %dma_wait3A_290 = tpu.memref_squeeze %dma_wait3A_289 : memref<1x512xi32, #tpu.memory_space<vmem>> -> memref<512xi32, #tpu.memory_space<vmem>>
          %dma_wait3A_291 = tpu.memref_slice %arg2[%mul3A_225] : memref<819200xi32, #tpu.memory_space<hbm>> -> memref<512xi32, #tpu.memory_space<hbm>>
          tpu.wait_dma2 semaphore(%run_scoped3A_275 : memref<!tpu.dma_semaphore, #tpu.memory_space<semaphore_mem>>) src(%dma_wait3A_291 : memref<512xi32, #tpu.memory_space<hbm>>) dst(%dma_wait3A_290 : memref<512xi32, #tpu.memory_space<vmem>>)
          tpu.yield
        }) : () -> ()
        %dma_start3A_227 = arith.constant 0 : i32
        %dma_start3A_228 = arith.constant 0 : i32
        %dma_start3A_229 = arith.constant 0 : i32
        %dma_start3A_230 = arith.constant 0 : i32
        %dma_start3A_231 = tpu.memref_slice %arg6[%dma_start3A_228, %dma_start3A_229, %dma_start3A_230] : memref<2x512x64xf32, #tpu.memory_space<vmem>> -> memref<1x128x64xf32, #tpu.memory_space<vmem>>
        %dma_start3A_232 = tpu.memref_squeeze %dma_start3A_231 : memref<1x128x64xf32, #tpu.memory_space<vmem>> -> memref<128x64xf32, #tpu.memory_space<vmem>>
        %dma_start3A_233 = arith.constant 0 : i32
        %dma_start3A_234 = tpu.memref_slice %arg5[%dma_start3A_227, %dma_start3A_233] : memref<2x512xi32, #tpu.memory_space<vmem>> -> memref<1x128xi32, #tpu.memory_space<vmem>>
        %dma_start3A_235 = tpu.memref_squeeze %dma_start3A_234 : memref<1x128xi32, #tpu.memory_space<vmem>> -> memref<128xi32, #tpu.memory_space<vmem>>
        %dma_start3A_236 = arith.constant 0 : i32
        %dma_start3A_237 = arith.constant 0 : i32
        %dma_start3A_238 = tpu.memref_slice %arg3[%dma_start3A_236, %dma_start3A_237] : memref<1000000x64xf32, #tpu.memory_space<hbm>> -> memref<1000000x64xf32, #tpu.memory_space<hbm>>
        tpu.enqueue_indirect_dma source(%dma_start3A_238 : memref<1000000x64xf32, #tpu.memory_space<hbm>>) target(%dma_start3A_232 : memref<128x64xf32, #tpu.memory_space<vmem>>) offsets(%dma_start3A_235 : memref<128xi32, #tpu.memory_space<vmem>>) semaphore(%arg7 : memref<!tpu.dma_semaphore, #tpu.memory_space<semaphore_mem>>)
        %dma_start3A_239 = arith.constant 0 : i32
        %dma_start3A_240 = arith.constant 0 : i32
        %dma_start3A_241 = arith.constant 128 : i32
        %dma_start3A_242 = arith.constant 0 : i32
        %dma_start3A_243 = tpu.memref_slice %arg6[%dma_start3A_240, %dma_start3A_241, %dma_start3A_242] : memref<2x512x64xf32, #tpu.memory_space<vmem>> -> memref<1x128x64xf32, #tpu.memory_space<vmem>>
        %dma_start3A_244 = tpu.memref_squeeze %dma_start3A_243 : memref<1x128x64xf32, #tpu.memory_space<vmem>> -> memref<128x64xf32, #tpu.memory_space<vmem>>
        %dma_start3A_245 = arith.constant 128 : i32
        %dma_start3A_246 = tpu.memref_slice %arg5[%dma_start3A_239, %dma_start3A_245] : memref<2x512xi32, #tpu.memory_space<vmem>> -> memref<1x128xi32, #tpu.memory_space<vmem>>
        %dma_start3A_247 = tpu.memref_squeeze %dma_start3A_246 : memref<1x128xi32, #tpu.memory_space<vmem>> -> memref<128xi32, #tpu.memory_space<vmem>>
        %dma_start3A_248 = arith.constant 0 : i32
        %dma_start3A_249 = arith.constant 0 : i32
        %dma_start3A_250 = tpu.memref_slice %arg3[%dma_start3A_248, %dma_start3A_249] : memref<1000000x64xf32, #tpu.memory_space<hbm>> -> memref<1000000x64xf32, #tpu.memory_space<hbm>>
        tpu.enqueue_indirect_dma source(%dma_start3A_250 : memref<1000000x64xf32, #tpu.memory_space<hbm>>) target(%dma_start3A_244 : memref<128x64xf32, #tpu.memory_space<vmem>>) offsets(%dma_start3A_247 : memref<128xi32, #tpu.memory_space<vmem>>) semaphore(%arg7 : memref<!tpu.dma_semaphore, #tpu.memory_space<semaphore_mem>>)
        %dma_start3A_251 = arith.constant 0 : i32
        %dma_start3A_252 = arith.constant 0 : i32
        %dma_start3A_253 = arith.constant 256 : i32
        %dma_start3A_254 = arith.constant 0 : i32
        %dma_start3A_255 = tpu.memref_slice %arg6[%dma_start3A_252, %dma_start3A_253, %dma_start3A_254] : memref<2x512x64xf32, #tpu.memory_space<vmem>> -> memref<1x128x64xf32, #tpu.memory_space<vmem>>
        %dma_start3A_256 = tpu.memref_squeeze %dma_start3A_255 : memref<1x128x64xf32, #tpu.memory_space<vmem>> -> memref<128x64xf32, #tpu.memory_space<vmem>>
        %dma_start3A_257 = arith.constant 256 : i32
        %dma_start3A_258 = tpu.memref_slice %arg5[%dma_start3A_251, %dma_start3A_257] : memref<2x512xi32, #tpu.memory_space<vmem>> -> memref<1x128xi32, #tpu.memory_space<vmem>>
        %dma_start3A_259 = tpu.memref_squeeze %dma_start3A_258 : memref<1x128xi32, #tpu.memory_space<vmem>> -> memref<128xi32, #tpu.memory_space<vmem>>
        %dma_start3A_260 = arith.constant 0 : i32
        %dma_start3A_261 = arith.constant 0 : i32
        %dma_start3A_262 = tpu.memref_slice %arg3[%dma_start3A_260, %dma_start3A_261] : memref<1000000x64xf32, #tpu.memory_space<hbm>> -> memref<1000000x64xf32, #tpu.memory_space<hbm>>
        tpu.enqueue_indirect_dma source(%dma_start3A_262 : memref<1000000x64xf32, #tpu.memory_space<hbm>>) target(%dma_start3A_256 : memref<128x64xf32, #tpu.memory_space<vmem>>) offsets(%dma_start3A_259 : memref<128xi32, #tpu.memory_space<vmem>>) semaphore(%arg7 : memref<!tpu.dma_semaphore, #tpu.memory_space<semaphore_mem>>)
        %dma_start3A_263 = arith.constant 0 : i32
        %dma_start3A_264 = arith.constant 0 : i32
        %dma_start3A_265 = arith.constant 384 : i32
        %dma_start3A_266 = arith.constant 0 : i32
        %dma_start3A_267 = tpu.memref_slice %arg6[%dma_start3A_264, %dma_start3A_265, %dma_start3A_266] : memref<2x512x64xf32, #tpu.memory_space<vmem>> -> memref<1x128x64xf32, #tpu.memory_space<vmem>>
        %dma_start3A_268 = tpu.memref_squeeze %dma_start3A_267 : memref<1x128x64xf32, #tpu.memory_space<vmem>> -> memref<128x64xf32, #tpu.memory_space<vmem>>
        %dma_start3A_269 = arith.constant 384 : i32
        %dma_start3A_270 = tpu.memref_slice %arg5[%dma_start3A_263, %dma_start3A_269] : memref<2x512xi32, #tpu.memory_space<vmem>> -> memref<1x128xi32, #tpu.memory_space<vmem>>
        %dma_start3A_271 = tpu.memref_squeeze %dma_start3A_270 : memref<1x128xi32, #tpu.memory_space<vmem>> -> memref<128xi32, #tpu.memory_space<vmem>>
        %dma_start3A_272 = arith.constant 0 : i32
        %dma_start3A_273 = arith.constant 0 : i32
        %dma_start3A_274 = tpu.memref_slice %arg3[%dma_start3A_272, %dma_start3A_273] : memref<1000000x64xf32, #tpu.memory_space<hbm>> -> memref<1000000x64xf32, #tpu.memory_space<hbm>>
        tpu.enqueue_indirect_dma source(%dma_start3A_274 : memref<1000000x64xf32, #tpu.memory_space<hbm>>) target(%dma_start3A_268 : memref<128x64xf32, #tpu.memory_space<vmem>>) offsets(%dma_start3A_271 : memref<128xi32, #tpu.memory_space<vmem>>) semaphore(%arg7 : memref<!tpu.dma_semaphore, #tpu.memory_space<semaphore_mem>>)
      } else {
      }
      %add3A_169 = arith.constant 1 : i32
      %add3A_170 = arith.addi %add3A_60, %add3A_169 : i32
      %dma_wait3A_171 = arith.constant 1 : i32
      %dma_wait3A_172 = arith.constant 1 : i32
      %dma_wait3A_173 = arith.constant 0 : i32
      %dma_wait3A_174 = arith.constant 0 : i32
      %dma_wait3A_175 = tpu.memref_slice %arg6[%dma_wait3A_172, %dma_wait3A_173, %dma_wait3A_174] : memref<2x512x64xf32, #tpu.memory_space<vmem>> -> memref<1x128x64xf32, #tpu.memory_space<vmem>>
      %dma_wait3A_176 = tpu.memref_squeeze %dma_wait3A_175 : memref<1x128x64xf32, #tpu.memory_space<vmem>> -> memref<128x64xf32, #tpu.memory_space<vmem>>
      %dma_wait3A_177 = arith.constant 0 : i32
      %dma_wait3A_178 = tpu.memref_slice %arg5[%dma_wait3A_171, %dma_wait3A_177] : memref<2x512xi32, #tpu.memory_space<vmem>> -> memref<1x128xi32, #tpu.memory_space<vmem>>
      %dma_wait3A_179 = tpu.memref_squeeze %dma_wait3A_178 : memref<1x128xi32, #tpu.memory_space<vmem>> -> memref<128xi32, #tpu.memory_space<vmem>>
      %dma_wait3A_180 = arith.constant 0 : i32
      %dma_wait3A_181 = arith.constant 0 : i32
      %dma_wait3A_182 = tpu.memref_slice %arg3[%dma_wait3A_180, %dma_wait3A_181] : memref<1000000x64xf32, #tpu.memory_space<hbm>> -> memref<1000000x64xf32, #tpu.memory_space<hbm>>
      tpu.wait_indirect_dma semaphore(%arg8 : memref<!tpu.dma_semaphore, #tpu.memory_space<semaphore_mem>>) src(%dma_wait3A_182 : memref<1000000x64xf32, #tpu.memory_space<hbm>>) dst(%dma_wait3A_176 : memref<128x64xf32, #tpu.memory_space<vmem>>)
      %dma_wait3A_183 = arith.constant 1 : i32
      %dma_wait3A_184 = arith.constant 1 : i32
      %dma_wait3A_185 = arith.constant 128 : i32
      %dma_wait3A_186 = arith.constant 0 : i32
      %dma_wait3A_187 = tpu.memref_slice %arg6[%dma_wait3A_184, %dma_wait3A_185, %dma_wait3A_186] : memref<2x512x64xf32, #tpu.memory_space<vmem>> -> memref<1x128x64xf32, #tpu.memory_space<vmem>>
      %dma_wait3A_188 = tpu.memref_squeeze %dma_wait3A_187 : memref<1x128x64xf32, #tpu.memory_space<vmem>> -> memref<128x64xf32, #tpu.memory_space<vmem>>
      %dma_wait3A_189 = arith.constant 128 : i32
      %dma_wait3A_190 = tpu.memref_slice %arg5[%dma_wait3A_183, %dma_wait3A_189] : memref<2x512xi32, #tpu.memory_space<vmem>> -> memref<1x128xi32, #tpu.memory_space<vmem>>
      %dma_wait3A_191 = tpu.memref_squeeze %dma_wait3A_190 : memref<1x128xi32, #tpu.memory_space<vmem>> -> memref<128xi32, #tpu.memory_space<vmem>>
      %dma_wait3A_192 = arith.constant 0 : i32
      %dma_wait3A_193 = arith.constant 0 : i32
      %dma_wait3A_194 = tpu.memref_slice %arg3[%dma_wait3A_192, %dma_wait3A_193] : memref<1000000x64xf32, #tpu.memory_space<hbm>> -> memref<1000000x64xf32, #tpu.memory_space<hbm>>
      tpu.wait_indirect_dma semaphore(%arg8 : memref<!tpu.dma_semaphore, #tpu.memory_space<semaphore_mem>>) src(%dma_wait3A_194 : memref<1000000x64xf32, #tpu.memory_space<hbm>>) dst(%dma_wait3A_188 : memref<128x64xf32, #tpu.memory_space<vmem>>)
      %dma_wait3A_195 = arith.constant 1 : i32
      %dma_wait3A_196 = arith.constant 1 : i32
      %dma_wait3A_197 = arith.constant 256 : i32
      %dma_wait3A_198 = arith.constant 0 : i32
      %dma_wait3A_199 = tpu.memref_slice %arg6[%dma_wait3A_196, %dma_wait3A_197, %dma_wait3A_198] : memref<2x512x64xf32, #tpu.memory_space<vmem>> -> memref<1x128x64xf32, #tpu.memory_space<vmem>>
      %dma_wait3A_200 = tpu.memref_squeeze %dma_wait3A_199 : memref<1x128x64xf32, #tpu.memory_space<vmem>> -> memref<128x64xf32, #tpu.memory_space<vmem>>
      %dma_wait3A_201 = arith.constant 256 : i32
      %dma_wait3A_202 = tpu.memref_slice %arg5[%dma_wait3A_195, %dma_wait3A_201] : memref<2x512xi32, #tpu.memory_space<vmem>> -> memref<1x128xi32, #tpu.memory_space<vmem>>
      %dma_wait3A_203 = tpu.memref_squeeze %dma_wait3A_202 : memref<1x128xi32, #tpu.memory_space<vmem>> -> memref<128xi32, #tpu.memory_space<vmem>>
      %dma_wait3A_204 = arith.constant 0 : i32
      %dma_wait3A_205 = arith.constant 0 : i32
      %dma_wait3A_206 = tpu.memref_slice %arg3[%dma_wait3A_204, %dma_wait3A_205] : memref<1000000x64xf32, #tpu.memory_space<hbm>> -> memref<1000000x64xf32, #tpu.memory_space<hbm>>
      tpu.wait_indirect_dma semaphore(%arg8 : memref<!tpu.dma_semaphore, #tpu.memory_space<semaphore_mem>>) src(%dma_wait3A_206 : memref<1000000x64xf32, #tpu.memory_space<hbm>>) dst(%dma_wait3A_200 : memref<128x64xf32, #tpu.memory_space<vmem>>)
      %dma_wait3A_207 = arith.constant 1 : i32
      %dma_wait3A_208 = arith.constant 1 : i32
      %dma_wait3A_209 = arith.constant 384 : i32
      %dma_wait3A_210 = arith.constant 0 : i32
      %dma_wait3A_211 = tpu.memref_slice %arg6[%dma_wait3A_208, %dma_wait3A_209, %dma_wait3A_210] : memref<2x512x64xf32, #tpu.memory_space<vmem>> -> memref<1x128x64xf32, #tpu.memory_space<vmem>>
      %dma_wait3A_212 = tpu.memref_squeeze %dma_wait3A_211 : memref<1x128x64xf32, #tpu.memory_space<vmem>> -> memref<128x64xf32, #tpu.memory_space<vmem>>
      %dma_wait3A_213 = arith.constant 384 : i32
      %dma_wait3A_214 = tpu.memref_slice %arg5[%dma_wait3A_207, %dma_wait3A_213] : memref<2x512xi32, #tpu.memory_space<vmem>> -> memref<1x128xi32, #tpu.memory_space<vmem>>
      %dma_wait3A_215 = tpu.memref_squeeze %dma_wait3A_214 : memref<1x128xi32, #tpu.memory_space<vmem>> -> memref<128xi32, #tpu.memory_space<vmem>>
      %dma_wait3A_216 = arith.constant 0 : i32
      %dma_wait3A_217 = arith.constant 0 : i32
      %dma_wait3A_218 = tpu.memref_slice %arg3[%dma_wait3A_216, %dma_wait3A_217] : memref<1000000x64xf32, #tpu.memory_space<hbm>> -> memref<1000000x64xf32, #tpu.memory_space<hbm>>
      tpu.wait_indirect_dma semaphore(%arg8 : memref<!tpu.dma_semaphore, #tpu.memory_space<semaphore_mem>>) src(%dma_wait3A_218 : memref<1000000x64xf32, #tpu.memory_space<hbm>>) dst(%dma_wait3A_212 : memref<128x64xf32, #tpu.memory_space<vmem>>)
      %mul3A_219 = arith.constant 512 : i32
      %mul3A_220 = arith.muli %add3A_170, %mul3A_219 : i32
      %run_scoped3A_221 = arith.constant 1 : i32
      "tpu.region"() ({
        %run_scoped3A_222 = tpu.sem_alloc : memref<!tpu.dma_semaphore, #tpu.memory_space<semaphore_mem>>
        %dma_start3A_223 = arith.constant 0 : i32
        %dma_start3A_224 = arith.constant 0 : i32
        %dma_start3A_225 = tpu.memref_slice %arg6[%run_scoped3A_221, %dma_start3A_223, %dma_start3A_224] : memref<2x512x64xf32, #tpu.memory_space<vmem>> -> memref<1x512x64xf32, #tpu.memory_space<vmem>>
        %dma_start3A_226 = tpu.memref_squeeze %dma_start3A_225 : memref<1x512x64xf32, #tpu.memory_space<vmem>> -> memref<512x64xf32, #tpu.memory_space<vmem>>
        %dma_start3A_227 = arith.constant 0 : i32
        %dma_start3A_228 = tpu.memref_slice %arg4[%mul3A_220, %dma_start3A_227] : memref<819200x64xf32, #tpu.memory_space<hbm>> -> memref<512x64xf32, #tpu.memory_space<hbm>>
        %dma_start3A_229 = arith.constant 0 : i32
        %dma_start3A_230 = tpu.memref_slice %arg4[%mul3A_220, %dma_start3A_229] : memref<819200x64xf32, #tpu.memory_space<hbm>> -> memref<512x64xf32, #tpu.memory_space<hbm>>
        %dma_start3A_231 = arith.constant 0 : i32
        %dma_start3A_232 = arith.constant 0 : i32
        %dma_start3A_233 = tpu.memref_slice %arg6[%run_scoped3A_221, %dma_start3A_231, %dma_start3A_232] : memref<2x512x64xf32, #tpu.memory_space<vmem>> -> memref<1x512x64xf32, #tpu.memory_space<vmem>>
        %dma_start3A_234 = tpu.memref_squeeze %dma_start3A_233 : memref<1x512x64xf32, #tpu.memory_space<vmem>> -> memref<512x64xf32, #tpu.memory_space<vmem>>
        tpu.enqueue_dma source(%dma_start3A_234 : memref<512x64xf32, #tpu.memory_space<vmem>>) target(%dma_start3A_230 : memref<512x64xf32, #tpu.memory_space<hbm>>) target_semaphore(%run_scoped3A_222 : memref<!tpu.dma_semaphore, #tpu.memory_space<semaphore_mem>>)
        %dma_wait3A_235 = arith.constant 0 : i32
        %dma_wait3A_236 = arith.constant 0 : i32
        %dma_wait3A_237 = tpu.memref_slice %arg6[%run_scoped3A_221, %dma_wait3A_235, %dma_wait3A_236] : memref<2x512x64xf32, #tpu.memory_space<vmem>> -> memref<1x512x64xf32, #tpu.memory_space<vmem>>
        %dma_wait3A_238 = tpu.memref_squeeze %dma_wait3A_237 : memref<1x512x64xf32, #tpu.memory_space<vmem>> -> memref<512x64xf32, #tpu.memory_space<vmem>>
        %dma_wait3A_239 = arith.constant 0 : i32
        %dma_wait3A_240 = tpu.memref_slice %arg4[%mul3A_220, %dma_wait3A_239] : memref<819200x64xf32, #tpu.memory_space<hbm>> -> memref<512x64xf32, #tpu.memory_space<hbm>>
        %dma_wait3A_241 = arith.constant 0 : i32
        %dma_wait3A_242 = tpu.memref_slice %arg4[%mul3A_220, %dma_wait3A_241] : memref<819200x64xf32, #tpu.memory_space<hbm>> -> memref<512x64xf32, #tpu.memory_space<hbm>>
        %dma_wait3A_243 = arith.constant 0 : i32
        %dma_wait3A_244 = arith.constant 0 : i32
        %dma_wait3A_245 = tpu.memref_slice %arg6[%run_scoped3A_221, %dma_wait3A_243, %dma_wait3A_244] : memref<2x512x64xf32, #tpu.memory_space<vmem>> -> memref<1x512x64xf32, #tpu.memory_space<vmem>>
        %dma_wait3A_246 = tpu.memref_squeeze %dma_wait3A_245 : memref<1x512x64xf32, #tpu.memory_space<vmem>> -> memref<512x64xf32, #tpu.memory_space<vmem>>
        tpu.wait_dma2 semaphore(%run_scoped3A_222 : memref<!tpu.dma_semaphore, #tpu.memory_space<semaphore_mem>>) src(%dma_wait3A_246 : memref<512x64xf32, #tpu.memory_space<vmem>>) dst(%dma_wait3A_242 : memref<512x64xf32, #tpu.memory_space<hbm>>)
        tpu.yield
      }) : () -> ()
    }
    %scan3A_56 = arith.constant 25 : i32
    return
  }
}

#map = affine_map<(d0, d1) -> (0)>
#map1 = affine_map<(d0, d1) -> (0, 0)>
module attributes {stable_mosaic.version = 14 : i64} {
  func.func @_gather_body(%arg0: i32, %arg1: i32, %arg2: memref<81920xi32, #tpu.memory_space<hbm>>, %arg3: memref<1000000x64xf32, #tpu.memory_space<hbm>>, %arg4: memref<81920x64xf32, #tpu.memory_space<hbm>>, %arg5: memref<2x512xi32, #tpu.memory_space<vmem>>, %arg6: memref<2x512x64xf32, #tpu.memory_space<vmem>>, %arg7: memref<!tpu.dma_semaphore, #tpu.memory_space<semaphore_mem>>, %arg8: memref<!tpu.dma_semaphore, #tpu.memory_space<semaphore_mem>>) attributes {dimension_semantics = [#tpu.dimension_semantics<core_parallel>, #tpu.dimension_semantics<subcore_parallel>], iteration_bounds = array<i64: 2, 16>, scalar_prefetch = 0 : i64, scratch_operands = 4 : i64, tpu.core_type = #tpu.core_type<sc_vector_subcore>, window_params = [{transform_indices = #map}, {transform_indices = #map1}, {transform_indices = #map1}]} {
    %mul3A = arith.constant 2 : i32
    %mul3A_0 = arith.muli %arg1, %mul3A : i32
    %add3A = arith.addi %mul3A_0, %arg0 : i32
    %mul3A_1 = arith.constant 5 : i32
    %mul3A_2 = arith.muli %add3A, %mul3A_1 : i32
    %mul3A_3 = arith.constant 512 : i32
    %mul3A_4 = arith.muli %mul3A_2, %mul3A_3 : i32
    %run_scoped3A = arith.constant 0 : i32
    "tpu.region"() ({
      %run_scoped3A_110 = tpu.sem_alloc : memref<!tpu.dma_semaphore, #tpu.memory_space<semaphore_mem>>
      %dma_start3A_111 = arith.constant 0 : i32
      %dma_start3A_112 = tpu.memref_slice %arg5[%run_scoped3A, %dma_start3A_111] : memref<2x512xi32, #tpu.memory_space<vmem>> -> memref<1x512xi32, #tpu.memory_space<vmem>>
      %dma_start3A_113 = tpu.memref_squeeze %dma_start3A_112 : memref<1x512xi32, #tpu.memory_space<vmem>> -> memref<512xi32, #tpu.memory_space<vmem>>
      %dma_start3A_114 = tpu.memref_slice %arg2[%mul3A_4] : memref<81920xi32, #tpu.memory_space<hbm>> -> memref<512xi32, #tpu.memory_space<hbm>>
      %dma_start3A_115 = arith.constant 0 : i32
      %dma_start3A_116 = tpu.memref_slice %arg5[%run_scoped3A, %dma_start3A_115] : memref<2x512xi32, #tpu.memory_space<vmem>> -> memref<1x512xi32, #tpu.memory_space<vmem>>
      %dma_start3A_117 = tpu.memref_squeeze %dma_start3A_116 : memref<1x512xi32, #tpu.memory_space<vmem>> -> memref<512xi32, #tpu.memory_space<vmem>>
      %dma_start3A_118 = tpu.memref_slice %arg2[%mul3A_4] : memref<81920xi32, #tpu.memory_space<hbm>> -> memref<512xi32, #tpu.memory_space<hbm>>
      tpu.enqueue_dma source(%dma_start3A_118 : memref<512xi32, #tpu.memory_space<hbm>>) target(%dma_start3A_117 : memref<512xi32, #tpu.memory_space<vmem>>) target_semaphore(%run_scoped3A_110 : memref<!tpu.dma_semaphore, #tpu.memory_space<semaphore_mem>>)
      %dma_wait3A_119 = arith.constant 0 : i32
      %dma_wait3A_120 = tpu.memref_slice %arg5[%run_scoped3A, %dma_wait3A_119] : memref<2x512xi32, #tpu.memory_space<vmem>> -> memref<1x512xi32, #tpu.memory_space<vmem>>
      %dma_wait3A_121 = tpu.memref_squeeze %dma_wait3A_120 : memref<1x512xi32, #tpu.memory_space<vmem>> -> memref<512xi32, #tpu.memory_space<vmem>>
      %dma_wait3A_122 = tpu.memref_slice %arg2[%mul3A_4] : memref<81920xi32, #tpu.memory_space<hbm>> -> memref<512xi32, #tpu.memory_space<hbm>>
      %dma_wait3A_123 = arith.constant 0 : i32
      %dma_wait3A_124 = tpu.memref_slice %arg5[%run_scoped3A, %dma_wait3A_123] : memref<2x512xi32, #tpu.memory_space<vmem>> -> memref<1x512xi32, #tpu.memory_space<vmem>>
      %dma_wait3A_125 = tpu.memref_squeeze %dma_wait3A_124 : memref<1x512xi32, #tpu.memory_space<vmem>> -> memref<512xi32, #tpu.memory_space<vmem>>
      %dma_wait3A_126 = tpu.memref_slice %arg2[%mul3A_4] : memref<81920xi32, #tpu.memory_space<hbm>> -> memref<512xi32, #tpu.memory_space<hbm>>
      tpu.wait_dma2 semaphore(%run_scoped3A_110 : memref<!tpu.dma_semaphore, #tpu.memory_space<semaphore_mem>>) src(%dma_wait3A_126 : memref<512xi32, #tpu.memory_space<hbm>>) dst(%dma_wait3A_125 : memref<512xi32, #tpu.memory_space<vmem>>)
      tpu.yield
    }) : () -> ()
    %dma_start3A = arith.constant 0 : i32
    %dma_start3A_5 = arith.constant 0 : i32
    %dma_start3A_6 = arith.constant 0 : i32
    %dma_start3A_7 = arith.constant 0 : i32
    %dma_start3A_8 = tpu.memref_slice %arg6[%dma_start3A_5, %dma_start3A_6, %dma_start3A_7] : memref<2x512x64xf32, #tpu.memory_space<vmem>> -> memref<1x128x64xf32, #tpu.memory_space<vmem>>
    %dma_start3A_9 = tpu.memref_squeeze %dma_start3A_8 : memref<1x128x64xf32, #tpu.memory_space<vmem>> -> memref<128x64xf32, #tpu.memory_space<vmem>>
    %dma_start3A_10 = arith.constant 0 : i32
    %dma_start3A_11 = tpu.memref_slice %arg5[%dma_start3A, %dma_start3A_10] : memref<2x512xi32, #tpu.memory_space<vmem>> -> memref<1x128xi32, #tpu.memory_space<vmem>>
    %dma_start3A_12 = tpu.memref_squeeze %dma_start3A_11 : memref<1x128xi32, #tpu.memory_space<vmem>> -> memref<128xi32, #tpu.memory_space<vmem>>
    %dma_start3A_13 = arith.constant 0 : i32
    %dma_start3A_14 = arith.constant 0 : i32
    %dma_start3A_15 = tpu.memref_slice %arg3[%dma_start3A_13, %dma_start3A_14] : memref<1000000x64xf32, #tpu.memory_space<hbm>> -> memref<1000000x64xf32, #tpu.memory_space<hbm>>
    tpu.enqueue_indirect_dma source(%dma_start3A_15 : memref<1000000x64xf32, #tpu.memory_space<hbm>>) target(%dma_start3A_9 : memref<128x64xf32, #tpu.memory_space<vmem>>) offsets(%dma_start3A_12 : memref<128xi32, #tpu.memory_space<vmem>>) semaphore(%arg7 : memref<!tpu.dma_semaphore, #tpu.memory_space<semaphore_mem>>)
    %dma_start3A_16 = arith.constant 0 : i32
    %dma_start3A_17 = arith.constant 0 : i32
    %dma_start3A_18 = arith.constant 128 : i32
    %dma_start3A_19 = arith.constant 0 : i32
    %dma_start3A_20 = tpu.memref_slice %arg6[%dma_start3A_17, %dma_start3A_18, %dma_start3A_19] : memref<2x512x64xf32, #tpu.memory_space<vmem>> -> memref<1x128x64xf32, #tpu.memory_space<vmem>>
    %dma_start3A_21 = tpu.memref_squeeze %dma_start3A_20 : memref<1x128x64xf32, #tpu.memory_space<vmem>> -> memref<128x64xf32, #tpu.memory_space<vmem>>
    %dma_start3A_22 = arith.constant 128 : i32
    %dma_start3A_23 = tpu.memref_slice %arg5[%dma_start3A_16, %dma_start3A_22] : memref<2x512xi32, #tpu.memory_space<vmem>> -> memref<1x128xi32, #tpu.memory_space<vmem>>
    %dma_start3A_24 = tpu.memref_squeeze %dma_start3A_23 : memref<1x128xi32, #tpu.memory_space<vmem>> -> memref<128xi32, #tpu.memory_space<vmem>>
    %dma_start3A_25 = arith.constant 0 : i32
    %dma_start3A_26 = arith.constant 0 : i32
    %dma_start3A_27 = tpu.memref_slice %arg3[%dma_start3A_25, %dma_start3A_26] : memref<1000000x64xf32, #tpu.memory_space<hbm>> -> memref<1000000x64xf32, #tpu.memory_space<hbm>>
    tpu.enqueue_indirect_dma source(%dma_start3A_27 : memref<1000000x64xf32, #tpu.memory_space<hbm>>) target(%dma_start3A_21 : memref<128x64xf32, #tpu.memory_space<vmem>>) offsets(%dma_start3A_24 : memref<128xi32, #tpu.memory_space<vmem>>) semaphore(%arg7 : memref<!tpu.dma_semaphore, #tpu.memory_space<semaphore_mem>>)
    %dma_start3A_28 = arith.constant 0 : i32
    %dma_start3A_29 = arith.constant 0 : i32
    %dma_start3A_30 = arith.constant 256 : i32
    %dma_start3A_31 = arith.constant 0 : i32
    %dma_start3A_32 = tpu.memref_slice %arg6[%dma_start3A_29, %dma_start3A_30, %dma_start3A_31] : memref<2x512x64xf32, #tpu.memory_space<vmem>> -> memref<1x128x64xf32, #tpu.memory_space<vmem>>
    %dma_start3A_33 = tpu.memref_squeeze %dma_start3A_32 : memref<1x128x64xf32, #tpu.memory_space<vmem>> -> memref<128x64xf32, #tpu.memory_space<vmem>>
    %dma_start3A_34 = arith.constant 256 : i32
    %dma_start3A_35 = tpu.memref_slice %arg5[%dma_start3A_28, %dma_start3A_34] : memref<2x512xi32, #tpu.memory_space<vmem>> -> memref<1x128xi32, #tpu.memory_space<vmem>>
    %dma_start3A_36 = tpu.memref_squeeze %dma_start3A_35 : memref<1x128xi32, #tpu.memory_space<vmem>> -> memref<128xi32, #tpu.memory_space<vmem>>
    %dma_start3A_37 = arith.constant 0 : i32
    %dma_start3A_38 = arith.constant 0 : i32
    %dma_start3A_39 = tpu.memref_slice %arg3[%dma_start3A_37, %dma_start3A_38] : memref<1000000x64xf32, #tpu.memory_space<hbm>> -> memref<1000000x64xf32, #tpu.memory_space<hbm>>
    tpu.enqueue_indirect_dma source(%dma_start3A_39 : memref<1000000x64xf32, #tpu.memory_space<hbm>>) target(%dma_start3A_33 : memref<128x64xf32, #tpu.memory_space<vmem>>) offsets(%dma_start3A_36 : memref<128xi32, #tpu.memory_space<vmem>>) semaphore(%arg7 : memref<!tpu.dma_semaphore, #tpu.memory_space<semaphore_mem>>)
    %dma_start3A_40 = arith.constant 0 : i32
    %dma_start3A_41 = arith.constant 0 : i32
    %dma_start3A_42 = arith.constant 384 : i32
    %dma_start3A_43 = arith.constant 0 : i32
    %dma_start3A_44 = tpu.memref_slice %arg6[%dma_start3A_41, %dma_start3A_42, %dma_start3A_43] : memref<2x512x64xf32, #tpu.memory_space<vmem>> -> memref<1x128x64xf32, #tpu.memory_space<vmem>>
    %dma_start3A_45 = tpu.memref_squeeze %dma_start3A_44 : memref<1x128x64xf32, #tpu.memory_space<vmem>> -> memref<128x64xf32, #tpu.memory_space<vmem>>
    %dma_start3A_46 = arith.constant 384 : i32
    %dma_start3A_47 = tpu.memref_slice %arg5[%dma_start3A_40, %dma_start3A_46] : memref<2x512xi32, #tpu.memory_space<vmem>> -> memref<1x128xi32, #tpu.memory_space<vmem>>
    %dma_start3A_48 = tpu.memref_squeeze %dma_start3A_47 : memref<1x128xi32, #tpu.memory_space<vmem>> -> memref<128xi32, #tpu.memory_space<vmem>>
    %dma_start3A_49 = arith.constant 0 : i32
    %dma_start3A_50 = arith.constant 0 : i32
    %dma_start3A_51 = tpu.memref_slice %arg3[%dma_start3A_49, %dma_start3A_50] : memref<1000000x64xf32, #tpu.memory_space<hbm>> -> memref<1000000x64xf32, #tpu.memory_space<hbm>>
    tpu.enqueue_indirect_dma source(%dma_start3A_51 : memref<1000000x64xf32, #tpu.memory_space<hbm>>) target(%dma_start3A_45 : memref<128x64xf32, #tpu.memory_space<vmem>>) offsets(%dma_start3A_48 : memref<128xi32, #tpu.memory_space<vmem>>) semaphore(%arg7 : memref<!tpu.dma_semaphore, #tpu.memory_space<semaphore_mem>>)
    %scan3A = arith.constant 0 : i32
    %scan3A_52 = arith.constant 0 : i32
    %scan3A_53 = arith.constant 2 : i32
    %scan3A_54 = arith.addi %scan3A_52, %scan3A_53 : i32
    %scan3A_55 = arith.constant 1 : i32
    scf.for %scan3A_110 = %scan3A_52 to %scan3A_54 step %scan3A_55  : i32 {
      %mul3A_111 = arith.constant 2 : i32
      %mul3A_112 = arith.muli %mul3A_111, %scan3A_110 : i32
      %add3A_113 = arith.addi %mul3A_2, %mul3A_112 : i32
      %add3A_114 = arith.constant 1 : i32
      %add3A_115 = arith.addi %add3A_113, %add3A_114 : i32
      %mul3A_116 = arith.constant 512 : i32
      %mul3A_117 = arith.muli %add3A_115, %mul3A_116 : i32
      %run_scoped3A_118 = arith.constant 1 : i32
      "tpu.region"() ({
        %run_scoped3A_276 = tpu.sem_alloc : memref<!tpu.dma_semaphore, #tpu.memory_space<semaphore_mem>>
        %dma_start3A_277 = arith.constant 0 : i32
        %dma_start3A_278 = tpu.memref_slice %arg5[%run_scoped3A_118, %dma_start3A_277] : memref<2x512xi32, #tpu.memory_space<vmem>> -> memref<1x512xi32, #tpu.memory_space<vmem>>
        %dma_start3A_279 = tpu.memref_squeeze %dma_start3A_278 : memref<1x512xi32, #tpu.memory_space<vmem>> -> memref<512xi32, #tpu.memory_space<vmem>>
        %dma_start3A_280 = tpu.memref_slice %arg2[%mul3A_117] : memref<81920xi32, #tpu.memory_space<hbm>> -> memref<512xi32, #tpu.memory_space<hbm>>
        %dma_start3A_281 = arith.constant 0 : i32
        %dma_start3A_282 = tpu.memref_slice %arg5[%run_scoped3A_118, %dma_start3A_281] : memref<2x512xi32, #tpu.memory_space<vmem>> -> memref<1x512xi32, #tpu.memory_space<vmem>>
        %dma_start3A_283 = tpu.memref_squeeze %dma_start3A_282 : memref<1x512xi32, #tpu.memory_space<vmem>> -> memref<512xi32, #tpu.memory_space<vmem>>
        %dma_start3A_284 = tpu.memref_slice %arg2[%mul3A_117] : memref<81920xi32, #tpu.memory_space<hbm>> -> memref<512xi32, #tpu.memory_space<hbm>>
        tpu.enqueue_dma source(%dma_start3A_284 : memref<512xi32, #tpu.memory_space<hbm>>) target(%dma_start3A_283 : memref<512xi32, #tpu.memory_space<vmem>>) target_semaphore(%run_scoped3A_276 : memref<!tpu.dma_semaphore, #tpu.memory_space<semaphore_mem>>)
        %dma_wait3A_285 = arith.constant 0 : i32
        %dma_wait3A_286 = tpu.memref_slice %arg5[%run_scoped3A_118, %dma_wait3A_285] : memref<2x512xi32, #tpu.memory_space<vmem>> -> memref<1x512xi32, #tpu.memory_space<vmem>>
        %dma_wait3A_287 = tpu.memref_squeeze %dma_wait3A_286 : memref<1x512xi32, #tpu.memory_space<vmem>> -> memref<512xi32, #tpu.memory_space<vmem>>
        %dma_wait3A_288 = tpu.memref_slice %arg2[%mul3A_117] : memref<81920xi32, #tpu.memory_space<hbm>> -> memref<512xi32, #tpu.memory_space<hbm>>
        %dma_wait3A_289 = arith.constant 0 : i32
        %dma_wait3A_290 = tpu.memref_slice %arg5[%run_scoped3A_118, %dma_wait3A_289] : memref<2x512xi32, #tpu.memory_space<vmem>> -> memref<1x512xi32, #tpu.memory_space<vmem>>
        %dma_wait3A_291 = tpu.memref_squeeze %dma_wait3A_290 : memref<1x512xi32, #tpu.memory_space<vmem>> -> memref<512xi32, #tpu.memory_space<vmem>>
        %dma_wait3A_292 = tpu.memref_slice %arg2[%mul3A_117] : memref<81920xi32, #tpu.memory_space<hbm>> -> memref<512xi32, #tpu.memory_space<hbm>>
        tpu.wait_dma2 semaphore(%run_scoped3A_276 : memref<!tpu.dma_semaphore, #tpu.memory_space<semaphore_mem>>) src(%dma_wait3A_292 : memref<512xi32, #tpu.memory_space<hbm>>) dst(%dma_wait3A_291 : memref<512xi32, #tpu.memory_space<vmem>>)
        tpu.yield
      }) : () -> ()
      %dma_start3A_119 = arith.constant 1 : i32
      %dma_start3A_120 = arith.constant 1 : i32
      %dma_start3A_121 = arith.constant 0 : i32
      %dma_start3A_122 = arith.constant 0 : i32
      %dma_start3A_123 = tpu.memref_slice %arg6[%dma_start3A_120, %dma_start3A_121, %dma_start3A_122] : memref<2x512x64xf32, #tpu.memory_space<vmem>> -> memref<1x128x64xf32, #tpu.memory_space<vmem>>
      %dma_start3A_124 = tpu.memref_squeeze %dma_start3A_123 : memref<1x128x64xf32, #tpu.memory_space<vmem>> -> memref<128x64xf32, #tpu.memory_space<vmem>>
      %dma_start3A_125 = arith.constant 0 : i32
      %dma_start3A_126 = tpu.memref_slice %arg5[%dma_start3A_119, %dma_start3A_125] : memref<2x512xi32, #tpu.memory_space<vmem>> -> memref<1x128xi32, #tpu.memory_space<vmem>>
      %dma_start3A_127 = tpu.memref_squeeze %dma_start3A_126 : memref<1x128xi32, #tpu.memory_space<vmem>> -> memref<128xi32, #tpu.memory_space<vmem>>
      %dma_start3A_128 = arith.constant 0 : i32
      %dma_start3A_129 = arith.constant 0 : i32
      %dma_start3A_130 = tpu.memref_slice %arg3[%dma_start3A_128, %dma_start3A_129] : memref<1000000x64xf32, #tpu.memory_space<hbm>> -> memref<1000000x64xf32, #tpu.memory_space<hbm>>
      tpu.enqueue_indirect_dma source(%dma_start3A_130 : memref<1000000x64xf32, #tpu.memory_space<hbm>>) target(%dma_start3A_124 : memref<128x64xf32, #tpu.memory_space<vmem>>) offsets(%dma_start3A_127 : memref<128xi32, #tpu.memory_space<vmem>>) semaphore(%arg8 : memref<!tpu.dma_semaphore, #tpu.memory_space<semaphore_mem>>)
      %dma_start3A_131 = arith.constant 1 : i32
      %dma_start3A_132 = arith.constant 1 : i32
      %dma_start3A_133 = arith.constant 128 : i32
      %dma_start3A_134 = arith.constant 0 : i32
      %dma_start3A_135 = tpu.memref_slice %arg6[%dma_start3A_132, %dma_start3A_133, %dma_start3A_134] : memref<2x512x64xf32, #tpu.memory_space<vmem>> -> memref<1x128x64xf32, #tpu.memory_space<vmem>>
      %dma_start3A_136 = tpu.memref_squeeze %dma_start3A_135 : memref<1x128x64xf32, #tpu.memory_space<vmem>> -> memref<128x64xf32, #tpu.memory_space<vmem>>
      %dma_start3A_137 = arith.constant 128 : i32
      %dma_start3A_138 = tpu.memref_slice %arg5[%dma_start3A_131, %dma_start3A_137] : memref<2x512xi32, #tpu.memory_space<vmem>> -> memref<1x128xi32, #tpu.memory_space<vmem>>
      %dma_start3A_139 = tpu.memref_squeeze %dma_start3A_138 : memref<1x128xi32, #tpu.memory_space<vmem>> -> memref<128xi32, #tpu.memory_space<vmem>>
      %dma_start3A_140 = arith.constant 0 : i32
      %dma_start3A_141 = arith.constant 0 : i32
      %dma_start3A_142 = tpu.memref_slice %arg3[%dma_start3A_140, %dma_start3A_141] : memref<1000000x64xf32, #tpu.memory_space<hbm>> -> memref<1000000x64xf32, #tpu.memory_space<hbm>>
      tpu.enqueue_indirect_dma source(%dma_start3A_142 : memref<1000000x64xf32, #tpu.memory_space<hbm>>) target(%dma_start3A_136 : memref<128x64xf32, #tpu.memory_space<vmem>>) offsets(%dma_start3A_139 : memref<128xi32, #tpu.memory_space<vmem>>) semaphore(%arg8 : memref<!tpu.dma_semaphore, #tpu.memory_space<semaphore_mem>>)
      %dma_start3A_143 = arith.constant 1 : i32
      %dma_start3A_144 = arith.constant 1 : i32
      %dma_start3A_145 = arith.constant 256 : i32
      %dma_start3A_146 = arith.constant 0 : i32
      %dma_start3A_147 = tpu.memref_slice %arg6[%dma_start3A_144, %dma_start3A_145, %dma_start3A_146] : memref<2x512x64xf32, #tpu.memory_space<vmem>> -> memref<1x128x64xf32, #tpu.memory_space<vmem>>
      %dma_start3A_148 = tpu.memref_squeeze %dma_start3A_147 : memref<1x128x64xf32, #tpu.memory_space<vmem>> -> memref<128x64xf32, #tpu.memory_space<vmem>>
      %dma_start3A_149 = arith.constant 256 : i32
      %dma_start3A_150 = tpu.memref_slice %arg5[%dma_start3A_143, %dma_start3A_149] : memref<2x512xi32, #tpu.memory_space<vmem>> -> memref<1x128xi32, #tpu.memory_space<vmem>>
      %dma_start3A_151 = tpu.memref_squeeze %dma_start3A_150 : memref<1x128xi32, #tpu.memory_space<vmem>> -> memref<128xi32, #tpu.memory_space<vmem>>
      %dma_start3A_152 = arith.constant 0 : i32
      %dma_start3A_153 = arith.constant 0 : i32
      %dma_start3A_154 = tpu.memref_slice %arg3[%dma_start3A_152, %dma_start3A_153] : memref<1000000x64xf32, #tpu.memory_space<hbm>> -> memref<1000000x64xf32, #tpu.memory_space<hbm>>
      tpu.enqueue_indirect_dma source(%dma_start3A_154 : memref<1000000x64xf32, #tpu.memory_space<hbm>>) target(%dma_start3A_148 : memref<128x64xf32, #tpu.memory_space<vmem>>) offsets(%dma_start3A_151 : memref<128xi32, #tpu.memory_space<vmem>>) semaphore(%arg8 : memref<!tpu.dma_semaphore, #tpu.memory_space<semaphore_mem>>)
      %dma_start3A_155 = arith.constant 1 : i32
      %dma_start3A_156 = arith.constant 1 : i32
      %dma_start3A_157 = arith.constant 384 : i32
      %dma_start3A_158 = arith.constant 0 : i32
      %dma_start3A_159 = tpu.memref_slice %arg6[%dma_start3A_156, %dma_start3A_157, %dma_start3A_158] : memref<2x512x64xf32, #tpu.memory_space<vmem>> -> memref<1x128x64xf32, #tpu.memory_space<vmem>>
      %dma_start3A_160 = tpu.memref_squeeze %dma_start3A_159 : memref<1x128x64xf32, #tpu.memory_space<vmem>> -> memref<128x64xf32, #tpu.memory_space<vmem>>
      %dma_start3A_161 = arith.constant 384 : i32
      %dma_start3A_162 = tpu.memref_slice %arg5[%dma_start3A_155, %dma_start3A_161] : memref<2x512xi32, #tpu.memory_space<vmem>> -> memref<1x128xi32, #tpu.memory_space<vmem>>
      %dma_start3A_163 = tpu.memref_squeeze %dma_start3A_162 : memref<1x128xi32, #tpu.memory_space<vmem>> -> memref<128xi32, #tpu.memory_space<vmem>>
      %dma_start3A_164 = arith.constant 0 : i32
      %dma_start3A_165 = arith.constant 0 : i32
      %dma_start3A_166 = tpu.memref_slice %arg3[%dma_start3A_164, %dma_start3A_165] : memref<1000000x64xf32, #tpu.memory_space<hbm>> -> memref<1000000x64xf32, #tpu.memory_space<hbm>>
      tpu.enqueue_indirect_dma source(%dma_start3A_166 : memref<1000000x64xf32, #tpu.memory_space<hbm>>) target(%dma_start3A_160 : memref<128x64xf32, #tpu.memory_space<vmem>>) offsets(%dma_start3A_163 : memref<128xi32, #tpu.memory_space<vmem>>) semaphore(%arg8 : memref<!tpu.dma_semaphore, #tpu.memory_space<semaphore_mem>>)
      %dma_wait3A_167 = arith.constant 0 : i32
      %dma_wait3A_168 = arith.constant 0 : i32
      %dma_wait3A_169 = arith.constant 0 : i32
      %dma_wait3A_170 = arith.constant 0 : i32
      %dma_wait3A_171 = tpu.memref_slice %arg6[%dma_wait3A_168, %dma_wait3A_169, %dma_wait3A_170] : memref<2x512x64xf32, #tpu.memory_space<vmem>> -> memref<1x128x64xf32, #tpu.memory_space<vmem>>
      %dma_wait3A_172 = tpu.memref_squeeze %dma_wait3A_171 : memref<1x128x64xf32, #tpu.memory_space<vmem>> -> memref<128x64xf32, #tpu.memory_space<vmem>>
      %dma_wait3A_173 = arith.constant 0 : i32
      %dma_wait3A_174 = tpu.memref_slice %arg5[%dma_wait3A_167, %dma_wait3A_173] : memref<2x512xi32, #tpu.memory_space<vmem>> -> memref<1x128xi32, #tpu.memory_space<vmem>>
      %dma_wait3A_175 = tpu.memref_squeeze %dma_wait3A_174 : memref<1x128xi32, #tpu.memory_space<vmem>> -> memref<128xi32, #tpu.memory_space<vmem>>
      %dma_wait3A_176 = arith.constant 0 : i32
      %dma_wait3A_177 = arith.constant 0 : i32
      %dma_wait3A_178 = tpu.memref_slice %arg3[%dma_wait3A_176, %dma_wait3A_177] : memref<1000000x64xf32, #tpu.memory_space<hbm>> -> memref<1000000x64xf32, #tpu.memory_space<hbm>>
      tpu.wait_indirect_dma semaphore(%arg7 : memref<!tpu.dma_semaphore, #tpu.memory_space<semaphore_mem>>) src(%dma_wait3A_178 : memref<1000000x64xf32, #tpu.memory_space<hbm>>) dst(%dma_wait3A_172 : memref<128x64xf32, #tpu.memory_space<vmem>>)
      %dma_wait3A_179 = arith.constant 0 : i32
      %dma_wait3A_180 = arith.constant 0 : i32
      %dma_wait3A_181 = arith.constant 128 : i32
      %dma_wait3A_182 = arith.constant 0 : i32
      %dma_wait3A_183 = tpu.memref_slice %arg6[%dma_wait3A_180, %dma_wait3A_181, %dma_wait3A_182] : memref<2x512x64xf32, #tpu.memory_space<vmem>> -> memref<1x128x64xf32, #tpu.memory_space<vmem>>
      %dma_wait3A_184 = tpu.memref_squeeze %dma_wait3A_183 : memref<1x128x64xf32, #tpu.memory_space<vmem>> -> memref<128x64xf32, #tpu.memory_space<vmem>>
      %dma_wait3A_185 = arith.constant 128 : i32
      %dma_wait3A_186 = tpu.memref_slice %arg5[%dma_wait3A_179, %dma_wait3A_185] : memref<2x512xi32, #tpu.memory_space<vmem>> -> memref<1x128xi32, #tpu.memory_space<vmem>>
      %dma_wait3A_187 = tpu.memref_squeeze %dma_wait3A_186 : memref<1x128xi32, #tpu.memory_space<vmem>> -> memref<128xi32, #tpu.memory_space<vmem>>
      %dma_wait3A_188 = arith.constant 0 : i32
      %dma_wait3A_189 = arith.constant 0 : i32
      %dma_wait3A_190 = tpu.memref_slice %arg3[%dma_wait3A_188, %dma_wait3A_189] : memref<1000000x64xf32, #tpu.memory_space<hbm>> -> memref<1000000x64xf32, #tpu.memory_space<hbm>>
      tpu.wait_indirect_dma semaphore(%arg7 : memref<!tpu.dma_semaphore, #tpu.memory_space<semaphore_mem>>) src(%dma_wait3A_190 : memref<1000000x64xf32, #tpu.memory_space<hbm>>) dst(%dma_wait3A_184 : memref<128x64xf32, #tpu.memory_space<vmem>>)
      %dma_wait3A_191 = arith.constant 0 : i32
      %dma_wait3A_192 = arith.constant 0 : i32
      %dma_wait3A_193 = arith.constant 256 : i32
      %dma_wait3A_194 = arith.constant 0 : i32
      %dma_wait3A_195 = tpu.memref_slice %arg6[%dma_wait3A_192, %dma_wait3A_193, %dma_wait3A_194] : memref<2x512x64xf32, #tpu.memory_space<vmem>> -> memref<1x128x64xf32, #tpu.memory_space<vmem>>
      %dma_wait3A_196 = tpu.memref_squeeze %dma_wait3A_195 : memref<1x128x64xf32, #tpu.memory_space<vmem>> -> memref<128x64xf32, #tpu.memory_space<vmem>>
      %dma_wait3A_197 = arith.constant 256 : i32
      %dma_wait3A_198 = tpu.memref_slice %arg5[%dma_wait3A_191, %dma_wait3A_197] : memref<2x512xi32, #tpu.memory_space<vmem>> -> memref<1x128xi32, #tpu.memory_space<vmem>>
      %dma_wait3A_199 = tpu.memref_squeeze %dma_wait3A_198 : memref<1x128xi32, #tpu.memory_space<vmem>> -> memref<128xi32, #tpu.memory_space<vmem>>
      %dma_wait3A_200 = arith.constant 0 : i32
      %dma_wait3A_201 = arith.constant 0 : i32
      %dma_wait3A_202 = tpu.memref_slice %arg3[%dma_wait3A_200, %dma_wait3A_201] : memref<1000000x64xf32, #tpu.memory_space<hbm>> -> memref<1000000x64xf32, #tpu.memory_space<hbm>>
      tpu.wait_indirect_dma semaphore(%arg7 : memref<!tpu.dma_semaphore, #tpu.memory_space<semaphore_mem>>) src(%dma_wait3A_202 : memref<1000000x64xf32, #tpu.memory_space<hbm>>) dst(%dma_wait3A_196 : memref<128x64xf32, #tpu.memory_space<vmem>>)
      %dma_wait3A_203 = arith.constant 0 : i32
      %dma_wait3A_204 = arith.constant 0 : i32
      %dma_wait3A_205 = arith.constant 384 : i32
      %dma_wait3A_206 = arith.constant 0 : i32
      %dma_wait3A_207 = tpu.memref_slice %arg6[%dma_wait3A_204, %dma_wait3A_205, %dma_wait3A_206] : memref<2x512x64xf32, #tpu.memory_space<vmem>> -> memref<1x128x64xf32, #tpu.memory_space<vmem>>
      %dma_wait3A_208 = tpu.memref_squeeze %dma_wait3A_207 : memref<1x128x64xf32, #tpu.memory_space<vmem>> -> memref<128x64xf32, #tpu.memory_space<vmem>>
      %dma_wait3A_209 = arith.constant 384 : i32
      %dma_wait3A_210 = tpu.memref_slice %arg5[%dma_wait3A_203, %dma_wait3A_209] : memref<2x512xi32, #tpu.memory_space<vmem>> -> memref<1x128xi32, #tpu.memory_space<vmem>>
      %dma_wait3A_211 = tpu.memref_squeeze %dma_wait3A_210 : memref<1x128xi32, #tpu.memory_space<vmem>> -> memref<128xi32, #tpu.memory_space<vmem>>
      %dma_wait3A_212 = arith.constant 0 : i32
      %dma_wait3A_213 = arith.constant 0 : i32
      %dma_wait3A_214 = tpu.memref_slice %arg3[%dma_wait3A_212, %dma_wait3A_213] : memref<1000000x64xf32, #tpu.memory_space<hbm>> -> memref<1000000x64xf32, #tpu.memory_space<hbm>>
      tpu.wait_indirect_dma semaphore(%arg7 : memref<!tpu.dma_semaphore, #tpu.memory_space<semaphore_mem>>) src(%dma_wait3A_214 : memref<1000000x64xf32, #tpu.memory_space<hbm>>) dst(%dma_wait3A_208 : memref<128x64xf32, #tpu.memory_space<vmem>>)
      %mul3A_215 = arith.constant 512 : i32
      %mul3A_216 = arith.muli %add3A_113, %mul3A_215 : i32
      %run_scoped3A_217 = arith.constant 0 : i32
      "tpu.region"() ({
        %run_scoped3A_276 = tpu.sem_alloc : memref<!tpu.dma_semaphore, #tpu.memory_space<semaphore_mem>>
        %dma_start3A_277 = arith.constant 0 : i32
        %dma_start3A_278 = arith.constant 0 : i32
        %dma_start3A_279 = tpu.memref_slice %arg6[%run_scoped3A_217, %dma_start3A_277, %dma_start3A_278] : memref<2x512x64xf32, #tpu.memory_space<vmem>> -> memref<1x512x64xf32, #tpu.memory_space<vmem>>
        %dma_start3A_280 = tpu.memref_squeeze %dma_start3A_279 : memref<1x512x64xf32, #tpu.memory_space<vmem>> -> memref<512x64xf32, #tpu.memory_space<vmem>>
        %dma_start3A_281 = arith.constant 0 : i32
        %dma_start3A_282 = tpu.memref_slice %arg4[%mul3A_216, %dma_start3A_281] : memref<81920x64xf32, #tpu.memory_space<hbm>> -> memref<512x64xf32, #tpu.memory_space<hbm>>
        %dma_start3A_283 = arith.constant 0 : i32
        %dma_start3A_284 = tpu.memref_slice %arg4[%mul3A_216, %dma_start3A_283] : memref<81920x64xf32, #tpu.memory_space<hbm>> -> memref<512x64xf32, #tpu.memory_space<hbm>>
        %dma_start3A_285 = arith.constant 0 : i32
        %dma_start3A_286 = arith.constant 0 : i32
        %dma_start3A_287 = tpu.memref_slice %arg6[%run_scoped3A_217, %dma_start3A_285, %dma_start3A_286] : memref<2x512x64xf32, #tpu.memory_space<vmem>> -> memref<1x512x64xf32, #tpu.memory_space<vmem>>
        %dma_start3A_288 = tpu.memref_squeeze %dma_start3A_287 : memref<1x512x64xf32, #tpu.memory_space<vmem>> -> memref<512x64xf32, #tpu.memory_space<vmem>>
        tpu.enqueue_dma source(%dma_start3A_288 : memref<512x64xf32, #tpu.memory_space<vmem>>) target(%dma_start3A_284 : memref<512x64xf32, #tpu.memory_space<hbm>>) target_semaphore(%run_scoped3A_276 : memref<!tpu.dma_semaphore, #tpu.memory_space<semaphore_mem>>)
        %dma_wait3A_289 = arith.constant 0 : i32
        %dma_wait3A_290 = arith.constant 0 : i32
        %dma_wait3A_291 = tpu.memref_slice %arg6[%run_scoped3A_217, %dma_wait3A_289, %dma_wait3A_290] : memref<2x512x64xf32, #tpu.memory_space<vmem>> -> memref<1x512x64xf32, #tpu.memory_space<vmem>>
        %dma_wait3A_292 = tpu.memref_squeeze %dma_wait3A_291 : memref<1x512x64xf32, #tpu.memory_space<vmem>> -> memref<512x64xf32, #tpu.memory_space<vmem>>
        %dma_wait3A_293 = arith.constant 0 : i32
        %dma_wait3A_294 = tpu.memref_slice %arg4[%mul3A_216, %dma_wait3A_293] : memref<81920x64xf32, #tpu.memory_space<hbm>> -> memref<512x64xf32, #tpu.memory_space<hbm>>
        %dma_wait3A_295 = arith.constant 0 : i32
        %dma_wait3A_296 = tpu.memref_slice %arg4[%mul3A_216, %dma_wait3A_295] : memref<81920x64xf32, #tpu.memory_space<hbm>> -> memref<512x64xf32, #tpu.memory_space<hbm>>
        %dma_wait3A_297 = arith.constant 0 : i32
        %dma_wait3A_298 = arith.constant 0 : i32
        %dma_wait3A_299 = tpu.memref_slice %arg6[%run_scoped3A_217, %dma_wait3A_297, %dma_wait3A_298] : memref<2x512x64xf32, #tpu.memory_space<vmem>> -> memref<1x512x64xf32, #tpu.memory_space<vmem>>
        %dma_wait3A_300 = tpu.memref_squeeze %dma_wait3A_299 : memref<1x512x64xf32, #tpu.memory_space<vmem>> -> memref<512x64xf32, #tpu.memory_space<vmem>>
        tpu.wait_dma2 semaphore(%run_scoped3A_276 : memref<!tpu.dma_semaphore, #tpu.memory_space<semaphore_mem>>) src(%dma_wait3A_300 : memref<512x64xf32, #tpu.memory_space<vmem>>) dst(%dma_wait3A_296 : memref<512x64xf32, #tpu.memory_space<hbm>>)
        tpu.yield
      }) : () -> ()
      %add3A_218 = arith.constant 2 : i32
      %add3A_219 = arith.addi %add3A_113, %add3A_218 : i32
      %add3A_220 = arith.constant 5 : i32
      %add3A_221 = arith.addi %mul3A_2, %add3A_220 : i32
      %lt3A = arith.cmpi slt, %add3A_219, %add3A_221 : i32
      %convert_element_type3A = arith.extui %lt3A : i1 to i32
      %cond3A = arith.constant 0 : i32
      %cond3A_222 = arith.cmpi ne, %convert_element_type3A, %cond3A : i32
      scf.if %cond3A_222 {
        %add3A_276 = arith.constant 2 : i32
        %add3A_277 = arith.addi %add3A_113, %add3A_276 : i32
        %mul3A_278 = arith.constant 512 : i32
        %mul3A_279 = arith.muli %add3A_277, %mul3A_278 : i32
        %run_scoped3A_280 = arith.constant 0 : i32
        "tpu.region"() ({
          %run_scoped3A_329 = tpu.sem_alloc : memref<!tpu.dma_semaphore, #tpu.memory_space<semaphore_mem>>
          %dma_start3A_330 = arith.constant 0 : i32
          %dma_start3A_331 = tpu.memref_slice %arg5[%run_scoped3A_280, %dma_start3A_330] : memref<2x512xi32, #tpu.memory_space<vmem>> -> memref<1x512xi32, #tpu.memory_space<vmem>>
          %dma_start3A_332 = tpu.memref_squeeze %dma_start3A_331 : memref<1x512xi32, #tpu.memory_space<vmem>> -> memref<512xi32, #tpu.memory_space<vmem>>
          %dma_start3A_333 = tpu.memref_slice %arg2[%mul3A_279] : memref<81920xi32, #tpu.memory_space<hbm>> -> memref<512xi32, #tpu.memory_space<hbm>>
          %dma_start3A_334 = arith.constant 0 : i32
          %dma_start3A_335 = tpu.memref_slice %arg5[%run_scoped3A_280, %dma_start3A_334] : memref<2x512xi32, #tpu.memory_space<vmem>> -> memref<1x512xi32, #tpu.memory_space<vmem>>
          %dma_start3A_336 = tpu.memref_squeeze %dma_start3A_335 : memref<1x512xi32, #tpu.memory_space<vmem>> -> memref<512xi32, #tpu.memory_space<vmem>>
          %dma_start3A_337 = tpu.memref_slice %arg2[%mul3A_279] : memref<81920xi32, #tpu.memory_space<hbm>> -> memref<512xi32, #tpu.memory_space<hbm>>
          tpu.enqueue_dma source(%dma_start3A_337 : memref<512xi32, #tpu.memory_space<hbm>>) target(%dma_start3A_336 : memref<512xi32, #tpu.memory_space<vmem>>) target_semaphore(%run_scoped3A_329 : memref<!tpu.dma_semaphore, #tpu.memory_space<semaphore_mem>>)
          %dma_wait3A_338 = arith.constant 0 : i32
          %dma_wait3A_339 = tpu.memref_slice %arg5[%run_scoped3A_280, %dma_wait3A_338] : memref<2x512xi32, #tpu.memory_space<vmem>> -> memref<1x512xi32, #tpu.memory_space<vmem>>
          %dma_wait3A_340 = tpu.memref_squeeze %dma_wait3A_339 : memref<1x512xi32, #tpu.memory_space<vmem>> -> memref<512xi32, #tpu.memory_space<vmem>>
          %dma_wait3A_341 = tpu.memref_slice %arg2[%mul3A_279] : memref<81920xi32, #tpu.memory_space<hbm>> -> memref<512xi32, #tpu.memory_space<hbm>>
          %dma_wait3A_342 = arith.constant 0 : i32
          %dma_wait3A_343 = tpu.memref_slice %arg5[%run_scoped3A_280, %dma_wait3A_342] : memref<2x512xi32, #tpu.memory_space<vmem>> -> memref<1x512xi32, #tpu.memory_space<vmem>>
          %dma_wait3A_344 = tpu.memref_squeeze %dma_wait3A_343 : memref<1x512xi32, #tpu.memory_space<vmem>> -> memref<512xi32, #tpu.memory_space<vmem>>
          %dma_wait3A_345 = tpu.memref_slice %arg2[%mul3A_279] : memref<81920xi32, #tpu.memory_space<hbm>> -> memref<512xi32, #tpu.memory_space<hbm>>
          tpu.wait_dma2 semaphore(%run_scoped3A_329 : memref<!tpu.dma_semaphore, #tpu.memory_space<semaphore_mem>>) src(%dma_wait3A_345 : memref<512xi32, #tpu.memory_space<hbm>>) dst(%dma_wait3A_344 : memref<512xi32, #tpu.memory_space<vmem>>)
          tpu.yield
        }) : () -> ()
        %dma_start3A_281 = arith.constant 0 : i32
        %dma_start3A_282 = arith.constant 0 : i32
        %dma_start3A_283 = arith.constant 0 : i32
        %dma_start3A_284 = arith.constant 0 : i32
        %dma_start3A_285 = tpu.memref_slice %arg6[%dma_start3A_282, %dma_start3A_283, %dma_start3A_284] : memref<2x512x64xf32, #tpu.memory_space<vmem>> -> memref<1x128x64xf32, #tpu.memory_space<vmem>>
        %dma_start3A_286 = tpu.memref_squeeze %dma_start3A_285 : memref<1x128x64xf32, #tpu.memory_space<vmem>> -> memref<128x64xf32, #tpu.memory_space<vmem>>
        %dma_start3A_287 = arith.constant 0 : i32
        %dma_start3A_288 = tpu.memref_slice %arg5[%dma_start3A_281, %dma_start3A_287] : memref<2x512xi32, #tpu.memory_space<vmem>> -> memref<1x128xi32, #tpu.memory_space<vmem>>
        %dma_start3A_289 = tpu.memref_squeeze %dma_start3A_288 : memref<1x128xi32, #tpu.memory_space<vmem>> -> memref<128xi32, #tpu.memory_space<vmem>>
        %dma_start3A_290 = arith.constant 0 : i32
        %dma_start3A_291 = arith.constant 0 : i32
        %dma_start3A_292 = tpu.memref_slice %arg3[%dma_start3A_290, %dma_start3A_291] : memref<1000000x64xf32, #tpu.memory_space<hbm>> -> memref<1000000x64xf32, #tpu.memory_space<hbm>>
        tpu.enqueue_indirect_dma source(%dma_start3A_292 : memref<1000000x64xf32, #tpu.memory_space<hbm>>) target(%dma_start3A_286 : memref<128x64xf32, #tpu.memory_space<vmem>>) offsets(%dma_start3A_289 : memref<128xi32, #tpu.memory_space<vmem>>) semaphore(%arg7 : memref<!tpu.dma_semaphore, #tpu.memory_space<semaphore_mem>>)
        %dma_start3A_293 = arith.constant 0 : i32
        %dma_start3A_294 = arith.constant 0 : i32
        %dma_start3A_295 = arith.constant 128 : i32
        %dma_start3A_296 = arith.constant 0 : i32
        %dma_start3A_297 = tpu.memref_slice %arg6[%dma_start3A_294, %dma_start3A_295, %dma_start3A_296] : memref<2x512x64xf32, #tpu.memory_space<vmem>> -> memref<1x128x64xf32, #tpu.memory_space<vmem>>
        %dma_start3A_298 = tpu.memref_squeeze %dma_start3A_297 : memref<1x128x64xf32, #tpu.memory_space<vmem>> -> memref<128x64xf32, #tpu.memory_space<vmem>>
        %dma_start3A_299 = arith.constant 128 : i32
        %dma_start3A_300 = tpu.memref_slice %arg5[%dma_start3A_293, %dma_start3A_299] : memref<2x512xi32, #tpu.memory_space<vmem>> -> memref<1x128xi32, #tpu.memory_space<vmem>>
        %dma_start3A_301 = tpu.memref_squeeze %dma_start3A_300 : memref<1x128xi32, #tpu.memory_space<vmem>> -> memref<128xi32, #tpu.memory_space<vmem>>
        %dma_start3A_302 = arith.constant 0 : i32
        %dma_start3A_303 = arith.constant 0 : i32
        %dma_start3A_304 = tpu.memref_slice %arg3[%dma_start3A_302, %dma_start3A_303] : memref<1000000x64xf32, #tpu.memory_space<hbm>> -> memref<1000000x64xf32, #tpu.memory_space<hbm>>
        tpu.enqueue_indirect_dma source(%dma_start3A_304 : memref<1000000x64xf32, #tpu.memory_space<hbm>>) target(%dma_start3A_298 : memref<128x64xf32, #tpu.memory_space<vmem>>) offsets(%dma_start3A_301 : memref<128xi32, #tpu.memory_space<vmem>>) semaphore(%arg7 : memref<!tpu.dma_semaphore, #tpu.memory_space<semaphore_mem>>)
        %dma_start3A_305 = arith.constant 0 : i32
        %dma_start3A_306 = arith.constant 0 : i32
        %dma_start3A_307 = arith.constant 256 : i32
        %dma_start3A_308 = arith.constant 0 : i32
        %dma_start3A_309 = tpu.memref_slice %arg6[%dma_start3A_306, %dma_start3A_307, %dma_start3A_308] : memref<2x512x64xf32, #tpu.memory_space<vmem>> -> memref<1x128x64xf32, #tpu.memory_space<vmem>>
        %dma_start3A_310 = tpu.memref_squeeze %dma_start3A_309 : memref<1x128x64xf32, #tpu.memory_space<vmem>> -> memref<128x64xf32, #tpu.memory_space<vmem>>
        %dma_start3A_311 = arith.constant 256 : i32
        %dma_start3A_312 = tpu.memref_slice %arg5[%dma_start3A_305, %dma_start3A_311] : memref<2x512xi32, #tpu.memory_space<vmem>> -> memref<1x128xi32, #tpu.memory_space<vmem>>
        %dma_start3A_313 = tpu.memref_squeeze %dma_start3A_312 : memref<1x128xi32, #tpu.memory_space<vmem>> -> memref<128xi32, #tpu.memory_space<vmem>>
        %dma_start3A_314 = arith.constant 0 : i32
        %dma_start3A_315 = arith.constant 0 : i32
        %dma_start3A_316 = tpu.memref_slice %arg3[%dma_start3A_314, %dma_start3A_315] : memref<1000000x64xf32, #tpu.memory_space<hbm>> -> memref<1000000x64xf32, #tpu.memory_space<hbm>>
        tpu.enqueue_indirect_dma source(%dma_start3A_316 : memref<1000000x64xf32, #tpu.memory_space<hbm>>) target(%dma_start3A_310 : memref<128x64xf32, #tpu.memory_space<vmem>>) offsets(%dma_start3A_313 : memref<128xi32, #tpu.memory_space<vmem>>) semaphore(%arg7 : memref<!tpu.dma_semaphore, #tpu.memory_space<semaphore_mem>>)
        %dma_start3A_317 = arith.constant 0 : i32
        %dma_start3A_318 = arith.constant 0 : i32
        %dma_start3A_319 = arith.constant 384 : i32
        %dma_start3A_320 = arith.constant 0 : i32
        %dma_start3A_321 = tpu.memref_slice %arg6[%dma_start3A_318, %dma_start3A_319, %dma_start3A_320] : memref<2x512x64xf32, #tpu.memory_space<vmem>> -> memref<1x128x64xf32, #tpu.memory_space<vmem>>
        %dma_start3A_322 = tpu.memref_squeeze %dma_start3A_321 : memref<1x128x64xf32, #tpu.memory_space<vmem>> -> memref<128x64xf32, #tpu.memory_space<vmem>>
        %dma_start3A_323 = arith.constant 384 : i32
        %dma_start3A_324 = tpu.memref_slice %arg5[%dma_start3A_317, %dma_start3A_323] : memref<2x512xi32, #tpu.memory_space<vmem>> -> memref<1x128xi32, #tpu.memory_space<vmem>>
        %dma_start3A_325 = tpu.memref_squeeze %dma_start3A_324 : memref<1x128xi32, #tpu.memory_space<vmem>> -> memref<128xi32, #tpu.memory_space<vmem>>
        %dma_start3A_326 = arith.constant 0 : i32
        %dma_start3A_327 = arith.constant 0 : i32
        %dma_start3A_328 = tpu.memref_slice %arg3[%dma_start3A_326, %dma_start3A_327] : memref<1000000x64xf32, #tpu.memory_space<hbm>> -> memref<1000000x64xf32, #tpu.memory_space<hbm>>
        tpu.enqueue_indirect_dma source(%dma_start3A_328 : memref<1000000x64xf32, #tpu.memory_space<hbm>>) target(%dma_start3A_322 : memref<128x64xf32, #tpu.memory_space<vmem>>) offsets(%dma_start3A_325 : memref<128xi32, #tpu.memory_space<vmem>>) semaphore(%arg7 : memref<!tpu.dma_semaphore, #tpu.memory_space<semaphore_mem>>)
      } else {
      }
      %add3A_223 = arith.constant 1 : i32
      %add3A_224 = arith.addi %add3A_113, %add3A_223 : i32
      %dma_wait3A_225 = arith.constant 1 : i32
      %dma_wait3A_226 = arith.constant 1 : i32
      %dma_wait3A_227 = arith.constant 0 : i32
      %dma_wait3A_228 = arith.constant 0 : i32
      %dma_wait3A_229 = tpu.memref_slice %arg6[%dma_wait3A_226, %dma_wait3A_227, %dma_wait3A_228] : memref<2x512x64xf32, #tpu.memory_space<vmem>> -> memref<1x128x64xf32, #tpu.memory_space<vmem>>
      %dma_wait3A_230 = tpu.memref_squeeze %dma_wait3A_229 : memref<1x128x64xf32, #tpu.memory_space<vmem>> -> memref<128x64xf32, #tpu.memory_space<vmem>>
      %dma_wait3A_231 = arith.constant 0 : i32
      %dma_wait3A_232 = tpu.memref_slice %arg5[%dma_wait3A_225, %dma_wait3A_231] : memref<2x512xi32, #tpu.memory_space<vmem>> -> memref<1x128xi32, #tpu.memory_space<vmem>>
      %dma_wait3A_233 = tpu.memref_squeeze %dma_wait3A_232 : memref<1x128xi32, #tpu.memory_space<vmem>> -> memref<128xi32, #tpu.memory_space<vmem>>
      %dma_wait3A_234 = arith.constant 0 : i32
      %dma_wait3A_235 = arith.constant 0 : i32
      %dma_wait3A_236 = tpu.memref_slice %arg3[%dma_wait3A_234, %dma_wait3A_235] : memref<1000000x64xf32, #tpu.memory_space<hbm>> -> memref<1000000x64xf32, #tpu.memory_space<hbm>>
      tpu.wait_indirect_dma semaphore(%arg8 : memref<!tpu.dma_semaphore, #tpu.memory_space<semaphore_mem>>) src(%dma_wait3A_236 : memref<1000000x64xf32, #tpu.memory_space<hbm>>) dst(%dma_wait3A_230 : memref<128x64xf32, #tpu.memory_space<vmem>>)
      %dma_wait3A_237 = arith.constant 1 : i32
      %dma_wait3A_238 = arith.constant 1 : i32
      %dma_wait3A_239 = arith.constant 128 : i32
      %dma_wait3A_240 = arith.constant 0 : i32
      %dma_wait3A_241 = tpu.memref_slice %arg6[%dma_wait3A_238, %dma_wait3A_239, %dma_wait3A_240] : memref<2x512x64xf32, #tpu.memory_space<vmem>> -> memref<1x128x64xf32, #tpu.memory_space<vmem>>
      %dma_wait3A_242 = tpu.memref_squeeze %dma_wait3A_241 : memref<1x128x64xf32, #tpu.memory_space<vmem>> -> memref<128x64xf32, #tpu.memory_space<vmem>>
      %dma_wait3A_243 = arith.constant 128 : i32
      %dma_wait3A_244 = tpu.memref_slice %arg5[%dma_wait3A_237, %dma_wait3A_243] : memref<2x512xi32, #tpu.memory_space<vmem>> -> memref<1x128xi32, #tpu.memory_space<vmem>>
      %dma_wait3A_245 = tpu.memref_squeeze %dma_wait3A_244 : memref<1x128xi32, #tpu.memory_space<vmem>> -> memref<128xi32, #tpu.memory_space<vmem>>
      %dma_wait3A_246 = arith.constant 0 : i32
      %dma_wait3A_247 = arith.constant 0 : i32
      %dma_wait3A_248 = tpu.memref_slice %arg3[%dma_wait3A_246, %dma_wait3A_247] : memref<1000000x64xf32, #tpu.memory_space<hbm>> -> memref<1000000x64xf32, #tpu.memory_space<hbm>>
      tpu.wait_indirect_dma semaphore(%arg8 : memref<!tpu.dma_semaphore, #tpu.memory_space<semaphore_mem>>) src(%dma_wait3A_248 : memref<1000000x64xf32, #tpu.memory_space<hbm>>) dst(%dma_wait3A_242 : memref<128x64xf32, #tpu.memory_space<vmem>>)
      %dma_wait3A_249 = arith.constant 1 : i32
      %dma_wait3A_250 = arith.constant 1 : i32
      %dma_wait3A_251 = arith.constant 256 : i32
      %dma_wait3A_252 = arith.constant 0 : i32
      %dma_wait3A_253 = tpu.memref_slice %arg6[%dma_wait3A_250, %dma_wait3A_251, %dma_wait3A_252] : memref<2x512x64xf32, #tpu.memory_space<vmem>> -> memref<1x128x64xf32, #tpu.memory_space<vmem>>
      %dma_wait3A_254 = tpu.memref_squeeze %dma_wait3A_253 : memref<1x128x64xf32, #tpu.memory_space<vmem>> -> memref<128x64xf32, #tpu.memory_space<vmem>>
      %dma_wait3A_255 = arith.constant 256 : i32
      %dma_wait3A_256 = tpu.memref_slice %arg5[%dma_wait3A_249, %dma_wait3A_255] : memref<2x512xi32, #tpu.memory_space<vmem>> -> memref<1x128xi32, #tpu.memory_space<vmem>>
      %dma_wait3A_257 = tpu.memref_squeeze %dma_wait3A_256 : memref<1x128xi32, #tpu.memory_space<vmem>> -> memref<128xi32, #tpu.memory_space<vmem>>
      %dma_wait3A_258 = arith.constant 0 : i32
      %dma_wait3A_259 = arith.constant 0 : i32
      %dma_wait3A_260 = tpu.memref_slice %arg3[%dma_wait3A_258, %dma_wait3A_259] : memref<1000000x64xf32, #tpu.memory_space<hbm>> -> memref<1000000x64xf32, #tpu.memory_space<hbm>>
      tpu.wait_indirect_dma semaphore(%arg8 : memref<!tpu.dma_semaphore, #tpu.memory_space<semaphore_mem>>) src(%dma_wait3A_260 : memref<1000000x64xf32, #tpu.memory_space<hbm>>) dst(%dma_wait3A_254 : memref<128x64xf32, #tpu.memory_space<vmem>>)
      %dma_wait3A_261 = arith.constant 1 : i32
      %dma_wait3A_262 = arith.constant 1 : i32
      %dma_wait3A_263 = arith.constant 384 : i32
      %dma_wait3A_264 = arith.constant 0 : i32
      %dma_wait3A_265 = tpu.memref_slice %arg6[%dma_wait3A_262, %dma_wait3A_263, %dma_wait3A_264] : memref<2x512x64xf32, #tpu.memory_space<vmem>> -> memref<1x128x64xf32, #tpu.memory_space<vmem>>
      %dma_wait3A_266 = tpu.memref_squeeze %dma_wait3A_265 : memref<1x128x64xf32, #tpu.memory_space<vmem>> -> memref<128x64xf32, #tpu.memory_space<vmem>>
      %dma_wait3A_267 = arith.constant 384 : i32
      %dma_wait3A_268 = tpu.memref_slice %arg5[%dma_wait3A_261, %dma_wait3A_267] : memref<2x512xi32, #tpu.memory_space<vmem>> -> memref<1x128xi32, #tpu.memory_space<vmem>>
      %dma_wait3A_269 = tpu.memref_squeeze %dma_wait3A_268 : memref<1x128xi32, #tpu.memory_space<vmem>> -> memref<128xi32, #tpu.memory_space<vmem>>
      %dma_wait3A_270 = arith.constant 0 : i32
      %dma_wait3A_271 = arith.constant 0 : i32
      %dma_wait3A_272 = tpu.memref_slice %arg3[%dma_wait3A_270, %dma_wait3A_271] : memref<1000000x64xf32, #tpu.memory_space<hbm>> -> memref<1000000x64xf32, #tpu.memory_space<hbm>>
      tpu.wait_indirect_dma semaphore(%arg8 : memref<!tpu.dma_semaphore, #tpu.memory_space<semaphore_mem>>) src(%dma_wait3A_272 : memref<1000000x64xf32, #tpu.memory_space<hbm>>) dst(%dma_wait3A_266 : memref<128x64xf32, #tpu.memory_space<vmem>>)
      %mul3A_273 = arith.constant 512 : i32
      %mul3A_274 = arith.muli %add3A_224, %mul3A_273 : i32
      %run_scoped3A_275 = arith.constant 1 : i32
      "tpu.region"() ({
        %run_scoped3A_276 = tpu.sem_alloc : memref<!tpu.dma_semaphore, #tpu.memory_space<semaphore_mem>>
        %dma_start3A_277 = arith.constant 0 : i32
        %dma_start3A_278 = arith.constant 0 : i32
        %dma_start3A_279 = tpu.memref_slice %arg6[%run_scoped3A_275, %dma_start3A_277, %dma_start3A_278] : memref<2x512x64xf32, #tpu.memory_space<vmem>> -> memref<1x512x64xf32, #tpu.memory_space<vmem>>
        %dma_start3A_280 = tpu.memref_squeeze %dma_start3A_279 : memref<1x512x64xf32, #tpu.memory_space<vmem>> -> memref<512x64xf32, #tpu.memory_space<vmem>>
        %dma_start3A_281 = arith.constant 0 : i32
        %dma_start3A_282 = tpu.memref_slice %arg4[%mul3A_274, %dma_start3A_281] : memref<81920x64xf32, #tpu.memory_space<hbm>> -> memref<512x64xf32, #tpu.memory_space<hbm>>
        %dma_start3A_283 = arith.constant 0 : i32
        %dma_start3A_284 = tpu.memref_slice %arg4[%mul3A_274, %dma_start3A_283] : memref<81920x64xf32, #tpu.memory_space<hbm>> -> memref<512x64xf32, #tpu.memory_space<hbm>>
        %dma_start3A_285 = arith.constant 0 : i32
        %dma_start3A_286 = arith.constant 0 : i32
        %dma_start3A_287 = tpu.memref_slice %arg6[%run_scoped3A_275, %dma_start3A_285, %dma_start3A_286] : memref<2x512x64xf32, #tpu.memory_space<vmem>> -> memref<1x512x64xf32, #tpu.memory_space<vmem>>
        %dma_start3A_288 = tpu.memref_squeeze %dma_start3A_287 : memref<1x512x64xf32, #tpu.memory_space<vmem>> -> memref<512x64xf32, #tpu.memory_space<vmem>>
        tpu.enqueue_dma source(%dma_start3A_288 : memref<512x64xf32, #tpu.memory_space<vmem>>) target(%dma_start3A_284 : memref<512x64xf32, #tpu.memory_space<hbm>>) target_semaphore(%run_scoped3A_276 : memref<!tpu.dma_semaphore, #tpu.memory_space<semaphore_mem>>)
        %dma_wait3A_289 = arith.constant 0 : i32
        %dma_wait3A_290 = arith.constant 0 : i32
        %dma_wait3A_291 = tpu.memref_slice %arg6[%run_scoped3A_275, %dma_wait3A_289, %dma_wait3A_290] : memref<2x512x64xf32, #tpu.memory_space<vmem>> -> memref<1x512x64xf32, #tpu.memory_space<vmem>>
        %dma_wait3A_292 = tpu.memref_squeeze %dma_wait3A_291 : memref<1x512x64xf32, #tpu.memory_space<vmem>> -> memref<512x64xf32, #tpu.memory_space<vmem>>
        %dma_wait3A_293 = arith.constant 0 : i32
        %dma_wait3A_294 = tpu.memref_slice %arg4[%mul3A_274, %dma_wait3A_293] : memref<81920x64xf32, #tpu.memory_space<hbm>> -> memref<512x64xf32, #tpu.memory_space<hbm>>
        %dma_wait3A_295 = arith.constant 0 : i32
        %dma_wait3A_296 = tpu.memref_slice %arg4[%mul3A_274, %dma_wait3A_295] : memref<81920x64xf32, #tpu.memory_space<hbm>> -> memref<512x64xf32, #tpu.memory_space<hbm>>
        %dma_wait3A_297 = arith.constant 0 : i32
        %dma_wait3A_298 = arith.constant 0 : i32
        %dma_wait3A_299 = tpu.memref_slice %arg6[%run_scoped3A_275, %dma_wait3A_297, %dma_wait3A_298] : memref<2x512x64xf32, #tpu.memory_space<vmem>> -> memref<1x512x64xf32, #tpu.memory_space<vmem>>
        %dma_wait3A_300 = tpu.memref_squeeze %dma_wait3A_299 : memref<1x512x64xf32, #tpu.memory_space<vmem>> -> memref<512x64xf32, #tpu.memory_space<vmem>>
        tpu.wait_dma2 semaphore(%run_scoped3A_276 : memref<!tpu.dma_semaphore, #tpu.memory_space<semaphore_mem>>) src(%dma_wait3A_300 : memref<512x64xf32, #tpu.memory_space<vmem>>) dst(%dma_wait3A_296 : memref<512x64xf32, #tpu.memory_space<hbm>>)
        tpu.yield
      }) : () -> ()
    }
    %scan3A_56 = arith.constant 2 : i32
    %add3A_57 = arith.constant 5 : i32
    %add3A_58 = arith.addi %mul3A_2, %add3A_57 : i32
    %sub3A = arith.constant 1 : i32
    %sub3A_59 = arith.subi %add3A_58, %sub3A : i32
    %dma_wait3A = arith.constant 0 : i32
    %dma_wait3A_60 = arith.constant 0 : i32
    %dma_wait3A_61 = arith.constant 0 : i32
    %dma_wait3A_62 = arith.constant 0 : i32
    %dma_wait3A_63 = tpu.memref_slice %arg6[%dma_wait3A_60, %dma_wait3A_61, %dma_wait3A_62] : memref<2x512x64xf32, #tpu.memory_space<vmem>> -> memref<1x128x64xf32, #tpu.memory_space<vmem>>
    %dma_wait3A_64 = tpu.memref_squeeze %dma_wait3A_63 : memref<1x128x64xf32, #tpu.memory_space<vmem>> -> memref<128x64xf32, #tpu.memory_space<vmem>>
    %dma_wait3A_65 = arith.constant 0 : i32
    %dma_wait3A_66 = tpu.memref_slice %arg5[%dma_wait3A, %dma_wait3A_65] : memref<2x512xi32, #tpu.memory_space<vmem>> -> memref<1x128xi32, #tpu.memory_space<vmem>>
    %dma_wait3A_67 = tpu.memref_squeeze %dma_wait3A_66 : memref<1x128xi32, #tpu.memory_space<vmem>> -> memref<128xi32, #tpu.memory_space<vmem>>
    %dma_wait3A_68 = arith.constant 0 : i32
    %dma_wait3A_69 = arith.constant 0 : i32
    %dma_wait3A_70 = tpu.memref_slice %arg3[%dma_wait3A_68, %dma_wait3A_69] : memref<1000000x64xf32, #tpu.memory_space<hbm>> -> memref<1000000x64xf32, #tpu.memory_space<hbm>>
    tpu.wait_indirect_dma semaphore(%arg7 : memref<!tpu.dma_semaphore, #tpu.memory_space<semaphore_mem>>) src(%dma_wait3A_70 : memref<1000000x64xf32, #tpu.memory_space<hbm>>) dst(%dma_wait3A_64 : memref<128x64xf32, #tpu.memory_space<vmem>>)
    %dma_wait3A_71 = arith.constant 0 : i32
    %dma_wait3A_72 = arith.constant 0 : i32
    %dma_wait3A_73 = arith.constant 128 : i32
    %dma_wait3A_74 = arith.constant 0 : i32
    %dma_wait3A_75 = tpu.memref_slice %arg6[%dma_wait3A_72, %dma_wait3A_73, %dma_wait3A_74] : memref<2x512x64xf32, #tpu.memory_space<vmem>> -> memref<1x128x64xf32, #tpu.memory_space<vmem>>
    %dma_wait3A_76 = tpu.memref_squeeze %dma_wait3A_75 : memref<1x128x64xf32, #tpu.memory_space<vmem>> -> memref<128x64xf32, #tpu.memory_space<vmem>>
    %dma_wait3A_77 = arith.constant 128 : i32
    %dma_wait3A_78 = tpu.memref_slice %arg5[%dma_wait3A_71, %dma_wait3A_77] : memref<2x512xi32, #tpu.memory_space<vmem>> -> memref<1x128xi32, #tpu.memory_space<vmem>>
    %dma_wait3A_79 = tpu.memref_squeeze %dma_wait3A_78 : memref<1x128xi32, #tpu.memory_space<vmem>> -> memref<128xi32, #tpu.memory_space<vmem>>
    %dma_wait3A_80 = arith.constant 0 : i32
    %dma_wait3A_81 = arith.constant 0 : i32
    %dma_wait3A_82 = tpu.memref_slice %arg3[%dma_wait3A_80, %dma_wait3A_81] : memref<1000000x64xf32, #tpu.memory_space<hbm>> -> memref<1000000x64xf32, #tpu.memory_space<hbm>>
    tpu.wait_indirect_dma semaphore(%arg7 : memref<!tpu.dma_semaphore, #tpu.memory_space<semaphore_mem>>) src(%dma_wait3A_82 : memref<1000000x64xf32, #tpu.memory_space<hbm>>) dst(%dma_wait3A_76 : memref<128x64xf32, #tpu.memory_space<vmem>>)
    %dma_wait3A_83 = arith.constant 0 : i32
    %dma_wait3A_84 = arith.constant 0 : i32
    %dma_wait3A_85 = arith.constant 256 : i32
    %dma_wait3A_86 = arith.constant 0 : i32
    %dma_wait3A_87 = tpu.memref_slice %arg6[%dma_wait3A_84, %dma_wait3A_85, %dma_wait3A_86] : memref<2x512x64xf32, #tpu.memory_space<vmem>> -> memref<1x128x64xf32, #tpu.memory_space<vmem>>
    %dma_wait3A_88 = tpu.memref_squeeze %dma_wait3A_87 : memref<1x128x64xf32, #tpu.memory_space<vmem>> -> memref<128x64xf32, #tpu.memory_space<vmem>>
    %dma_wait3A_89 = arith.constant 256 : i32
    %dma_wait3A_90 = tpu.memref_slice %arg5[%dma_wait3A_83, %dma_wait3A_89] : memref<2x512xi32, #tpu.memory_space<vmem>> -> memref<1x128xi32, #tpu.memory_space<vmem>>
    %dma_wait3A_91 = tpu.memref_squeeze %dma_wait3A_90 : memref<1x128xi32, #tpu.memory_space<vmem>> -> memref<128xi32, #tpu.memory_space<vmem>>
    %dma_wait3A_92 = arith.constant 0 : i32
    %dma_wait3A_93 = arith.constant 0 : i32
    %dma_wait3A_94 = tpu.memref_slice %arg3[%dma_wait3A_92, %dma_wait3A_93] : memref<1000000x64xf32, #tpu.memory_space<hbm>> -> memref<1000000x64xf32, #tpu.memory_space<hbm>>
    tpu.wait_indirect_dma semaphore(%arg7 : memref<!tpu.dma_semaphore, #tpu.memory_space<semaphore_mem>>) src(%dma_wait3A_94 : memref<1000000x64xf32, #tpu.memory_space<hbm>>) dst(%dma_wait3A_88 : memref<128x64xf32, #tpu.memory_space<vmem>>)
    %dma_wait3A_95 = arith.constant 0 : i32
    %dma_wait3A_96 = arith.constant 0 : i32
    %dma_wait3A_97 = arith.constant 384 : i32
    %dma_wait3A_98 = arith.constant 0 : i32
    %dma_wait3A_99 = tpu.memref_slice %arg6[%dma_wait3A_96, %dma_wait3A_97, %dma_wait3A_98] : memref<2x512x64xf32, #tpu.memory_space<vmem>> -> memref<1x128x64xf32, #tpu.memory_space<vmem>>
    %dma_wait3A_100 = tpu.memref_squeeze %dma_wait3A_99 : memref<1x128x64xf32, #tpu.memory_space<vmem>> -> memref<128x64xf32, #tpu.memory_space<vmem>>
    %dma_wait3A_101 = arith.constant 384 : i32
    %dma_wait3A_102 = tpu.memref_slice %arg5[%dma_wait3A_95, %dma_wait3A_101] : memref<2x512xi32, #tpu.memory_space<vmem>> -> memref<1x128xi32, #tpu.memory_space<vmem>>
    %dma_wait3A_103 = tpu.memref_squeeze %dma_wait3A_102 : memref<1x128xi32, #tpu.memory_space<vmem>> -> memref<128xi32, #tpu.memory_space<vmem>>
    %dma_wait3A_104 = arith.constant 0 : i32
    %dma_wait3A_105 = arith.constant 0 : i32
    %dma_wait3A_106 = tpu.memref_slice %arg3[%dma_wait3A_104, %dma_wait3A_105] : memref<1000000x64xf32, #tpu.memory_space<hbm>> -> memref<1000000x64xf32, #tpu.memory_space<hbm>>
    tpu.wait_indirect_dma semaphore(%arg7 : memref<!tpu.dma_semaphore, #tpu.memory_space<semaphore_mem>>) src(%dma_wait3A_106 : memref<1000000x64xf32, #tpu.memory_space<hbm>>) dst(%dma_wait3A_100 : memref<128x64xf32, #tpu.memory_space<vmem>>)
    %mul3A_107 = arith.constant 512 : i32
    %mul3A_108 = arith.muli %sub3A_59, %mul3A_107 : i32
    %run_scoped3A_109 = arith.constant 0 : i32
    "tpu.region"() ({
      %run_scoped3A_110 = tpu.sem_alloc : memref<!tpu.dma_semaphore, #tpu.memory_space<semaphore_mem>>
      %dma_start3A_111 = arith.constant 0 : i32
      %dma_start3A_112 = arith.constant 0 : i32
      %dma_start3A_113 = tpu.memref_slice %arg6[%run_scoped3A_109, %dma_start3A_111, %dma_start3A_112] : memref<2x512x64xf32, #tpu.memory_space<vmem>> -> memref<1x512x64xf32, #tpu.memory_space<vmem>>
      %dma_start3A_114 = tpu.memref_squeeze %dma_start3A_113 : memref<1x512x64xf32, #tpu.memory_space<vmem>> -> memref<512x64xf32, #tpu.memory_space<vmem>>
      %dma_start3A_115 = arith.constant 0 : i32
      %dma_start3A_116 = tpu.memref_slice %arg4[%mul3A_108, %dma_start3A_115] : memref<81920x64xf32, #tpu.memory_space<hbm>> -> memref<512x64xf32, #tpu.memory_space<hbm>>
      %dma_start3A_117 = arith.constant 0 : i32
      %dma_start3A_118 = tpu.memref_slice %arg4[%mul3A_108, %dma_start3A_117] : memref<81920x64xf32, #tpu.memory_space<hbm>> -> memref<512x64xf32, #tpu.memory_space<hbm>>
      %dma_start3A_119 = arith.constant 0 : i32
      %dma_start3A_120 = arith.constant 0 : i32
      %dma_start3A_121 = tpu.memref_slice %arg6[%run_scoped3A_109, %dma_start3A_119, %dma_start3A_120] : memref<2x512x64xf32, #tpu.memory_space<vmem>> -> memref<1x512x64xf32, #tpu.memory_space<vmem>>
      %dma_start3A_122 = tpu.memref_squeeze %dma_start3A_121 : memref<1x512x64xf32, #tpu.memory_space<vmem>> -> memref<512x64xf32, #tpu.memory_space<vmem>>
      tpu.enqueue_dma source(%dma_start3A_122 : memref<512x64xf32, #tpu.memory_space<vmem>>) target(%dma_start3A_118 : memref<512x64xf32, #tpu.memory_space<hbm>>) target_semaphore(%run_scoped3A_110 : memref<!tpu.dma_semaphore, #tpu.memory_space<semaphore_mem>>)
      %dma_wait3A_123 = arith.constant 0 : i32
      %dma_wait3A_124 = arith.constant 0 : i32
      %dma_wait3A_125 = tpu.memref_slice %arg6[%run_scoped3A_109, %dma_wait3A_123, %dma_wait3A_124] : memref<2x512x64xf32, #tpu.memory_space<vmem>> -> memref<1x512x64xf32, #tpu.memory_space<vmem>>
      %dma_wait3A_126 = tpu.memref_squeeze %dma_wait3A_125 : memref<1x512x64xf32, #tpu.memory_space<vmem>> -> memref<512x64xf32, #tpu.memory_space<vmem>>
      %dma_wait3A_127 = arith.constant 0 : i32
      %dma_wait3A_128 = tpu.memref_slice %arg4[%mul3A_108, %dma_wait3A_127] : memref<81920x64xf32, #tpu.memory_space<hbm>> -> memref<512x64xf32, #tpu.memory_space<hbm>>
      %dma_wait3A_129 = arith.constant 0 : i32
      %dma_wait3A_130 = tpu.memref_slice %arg4[%mul3A_108, %dma_wait3A_129] : memref<81920x64xf32, #tpu.memory_space<hbm>> -> memref<512x64xf32, #tpu.memory_space<hbm>>
      %dma_wait3A_131 = arith.constant 0 : i32
      %dma_wait3A_132 = arith.constant 0 : i32
      %dma_wait3A_133 = tpu.memref_slice %arg6[%run_scoped3A_109, %dma_wait3A_131, %dma_wait3A_132] : memref<2x512x64xf32, #tpu.memory_space<vmem>> -> memref<1x512x64xf32, #tpu.memory_space<vmem>>
      %dma_wait3A_134 = tpu.memref_squeeze %dma_wait3A_133 : memref<1x512x64xf32, #tpu.memory_space<vmem>> -> memref<512x64xf32, #tpu.memory_space<vmem>>
      tpu.wait_dma2 semaphore(%run_scoped3A_110 : memref<!tpu.dma_semaphore, #tpu.memory_space<semaphore_mem>>) src(%dma_wait3A_134 : memref<512x64xf32, #tpu.memory_space<vmem>>) dst(%dma_wait3A_130 : memref<512x64xf32, #tpu.memory_space<hbm>>)
      tpu.yield
    }) : () -> ()
    return
  }
}

</mosaic_0001>

<sc_bundles>
// kernel: kernel.4.cloned.1.call-start
scs
__scs_entry_jumppad:
0x0: {  	(pc) =	sbr.rel $0x88, $3  }
0x1: {  	(tag) =	ssettag $0x0;
	lr =	simm.s32 $0x1  }
0x2: {  	[smem:$0x3F9D] =	sst lr;
	_ =	strace $0xD0000000  }
0x3: {  	_ = 	snop  }
0x4: {  	_ = 	snop  }
0x5: {  	_ = 	snop  }
0x6: {  	_ = 	snop  }
0x7: {  	_ = 	snop  }
__scs_overlays_trampoline_lowered:
0x8: {  	[smem:$0x3FAC] =	sst s0  }
0x9: {  	[smem:$0x3FAD] =	sst s1  }
0xa: {  	[smem:$0x3FAE] =	sst s2  }
0xb: {  	[smem:$0x3FAF] =	sst s3  }
0xc: {  	[smem:$0x3FB0] =	sst s4  }
0xd: {  	[smem:$0x3FB1] =	sst s5  }
0xe: {  	[smem:$0x3FB2] =	sst s6  }
0xf: {  	[smem:$0x3FB3] =	sst s7  }
0x10: {  	[smem:$0x3FB4] =	sst s8  }
0x11: {  	[smem:$0x3FB5] =	sst s9;
	s0 =	simm.s32 @!p0 $0x0  }
0x12: {  	s1 =	sld [smem:$0x3F9B];
	s0 =	simm.s32 @p0 $0x1  }
0x13: {  	[smem:$0x3FB6] =	sst s0;
	s0 =	simm.s32 @!p1 $0x0  }
0x14: {  	s2 =	sld [smem:$0x3F9A];
	s0 =	simm.s32 @p1 $0x1  }
0x15: {  	[smem:$0x3FB7] =	sst s0;
	s0 =	simm.s32 @!p2 $0x0  }
0x16: {  	s3 =	sld [smem:$0x3FDB];
	s0 =	simm.s32 @p2 $0x1  }
0x17: {  	s4 =	simm.s32 $0x1BF5;
	[smem:$0x3FB9] =	sst s0  }
0x18: {  	s0 =	sld [smem:$0x3F9C];
	_ =	swait.ge [sflag:s4], $0x0  }
0x19: {  	s7 =	sld [smem:$0x3F9D]  }
0x1a: {  	s8 =	sadd.s32 $0xFFFFE003, lr  }
0x1b: {  	s9 =	sadd.s32 $0xFFFFFEF7, lr;
	s5 =	simm.s32 $0xFFFFFFFF;
	p2 =	slt.u32 s8, $0xFFFFF086  }
0x1c: {  	p1 =	slt.u32 s9, $0xF7A;
	s5 =	simm.s32 @!p2 $0x0  }
0x1d: {  	s5 =	simm.s32 @p1 $0x1;
	p0 =	seq.s32 s7, s2  }
0x1e: {  	s7 =	smul.u32 @!p0 $0xF7A, s2;
	p2 =	seq.s32 @!p0 s5, $0x0  }
0x1f: {  	s9 =	smul.u32 $0xF7A, s1;
	s8 =	simm.s32 @!p0 $0x1BF5;
	p2 =	por !p2, p0  }
0x20: {  	[sflag:s8] =	ssyncset.s32 @!p0 $0xFFFFF086;
	s6 =	sadd.s32 @!p0 s3, s7;
	s7 =	simm.s32 @!p0 $0x108  }
0x21: {  	s3 =	sadd.s32 s3, s9;
	s6 =	sadd.s32 @!p0 $0x88, s6;
	s7 =	simm.s32 @p2 $0x1082  }
0x22: {  	[simem:s7], [sflag:s8] =	dma.local @!p0 [hbm:s6], $0xF7A  }
0x23: {  	s9 =	sor.u32 $0xD0000000, s2;
	s6 =	simm.s32 $0x108;
	_ =	swait.ge @!p0 [sflag:s8], $0x0  }
0x24: {  	s3 =	sadd.s32 $0x88, s3;
	s6 =	simm.s32 @!p1 $0x1082;
	[sflag:s4] =	ssyncset.s32 $0xFFFFF086  }
0x25: {  	[simem:s6], [sflag:s4] =	dma.local [hbm:s3], $0xF7A  }
0x26: {  	[smem:$0x3F9D] =	sst s1;
	(tag) =	ssettag s2;
	_ =	strace s9  }
0x27: {  	s1 =	sld [smem:$0x3FAD]  }
0x28: {  	s2 =	sld [smem:$0x3FAE]  }
0x29: {  	s4 =	sld [smem:$0x3FB0]  }
0x2a: {  	p0 =	seq.s32 s5, $0x0;
	s5 =	sld [smem:$0x3FB1]  }
0x2b: {  	s6 =	sld [smem:$0x3FB2]  }
0x2c: {  	s7 =	sld [smem:$0x3FB3]  }
0x2d: {  	s3 =	simm.s32 $0x108;
	s8 =	sld [smem:$0x3FB4]  }
0x2e: {  	s3 =	simm.s32 @!p0 $0x1082;
	s9 =	sld [smem:$0x3FB5]  }
0x2f: {  	lr =	sadd.s32 s0, s3;
	s0 =	sld [smem:$0x3FAC]  }
0x30: {  	s3 =	sld [smem:$0x3FAF]  }
0x31: {  	[smem:$0x3FB8] =	sst s10  }
0x32: {  	s10 =	sld [smem:$0x3FB6];
	_ =	sdelay $0x3  }
0x33: {  	p0 =	seq.s32 s10, $0x1;
	s10 =	sld [smem:$0x3FB8];
	_ =	sdelay $0x3  }
0x34: {  	[smem:$0x3FB8] =	sst s10  }
0x35: {  	s10 =	sld [smem:$0x3FB7];
	_ =	sdelay $0x3  }
0x36: {  	p1 =	seq.s32 s10, $0x1;
	s10 =	sld [smem:$0x3FB8];
	_ =	sdelay $0x3  }
0x37: {  	[smem:$0x3FB8] =	sst s10  }
0x38: {  	s10 =	sld [smem:$0x3FB9]  }
0x39: {  	_ = 	snop;
	(pc) =	sbr.ind lr, $3  }
0x3a: {  	_ = 	snop  }
0x3b: {  	_ = 	snop  }
0x3c: {  	p2 =	seq.s32 s10, $0x1;
	s10 =	sld [smem:$0x3FB8]  }
0x3d: {  	_ =	shalt  }
0x3e: {  	_ =	shalt  }
0x3f: {  	_ =	shalt  }
0x40: {  	_ =	shalt  }
0x41: {  	_ =	shalt  }
0x42: {  	_ =	shalt  }
0x43: {  	_ =	shalt  }
0x44: {  	_ =	shalt  }
0x45: {  	_ =	shalt  }
0x46: {  	_ =	shalt  }
0x47: {  	_ =	shalt  }
0x48: {  	_ =	shalt  }
0x49: {  	_ =	shalt  }
0x4a: {  	_ =	shalt  }
0x4b: {  	_ =	shalt  }
0x4c: {  	_ =	shalt  }
0x4d: {  	_ =	shalt  }
0x4e: {  	_ =	shalt  }
0x4f: {  	_ =	shalt  }
0x50: {  	_ =	shalt  }
0x51: {  	_ =	shalt  }
0x52: {  	_ =	shalt  }
0x53: {  	_ =	shalt  }
0x54: {  	_ =	shalt  }
0x55: {  	_ =	shalt  }
0x56: {  	_ =	shalt  }
0x57: {  	_ =	shalt  }
0x58: {  	_ =	shalt  }
0x59: {  	_ =	shalt  }
0x5a: {  	_ =	shalt  }
0x5b: {  	_ =	shalt  }
0x5c: {  	_ =	shalt  }
0x5d: {  	_ =	shalt  }
0x5e: {  	_ =	shalt  }
0x5f: {  	_ =	shalt  }
0x60: {  	_ =	shalt  }
0x61: {  	_ =	shalt  }
0x62: {  	_ =	shalt  }
0x63: {  	_ =	shalt  }
0x64: {  	_ =	shalt  }
0x65: {  	_ =	shalt  }
0x66: {  	_ =	shalt  }
0x67: {  	_ =	shalt  }
0x68: {  	_ =	shalt  }
0x69: {  	_ =	shalt  }
0x6a: {  	_ =	shalt  }
0x6b: {  	_ =	shalt  }
0x6c: {  	_ =	shalt  }
0x6d: {  	_ =	shalt  }
0x6e: {  	_ =	shalt  }
0x6f: {  	_ =	shalt  }
0x70: {  	_ =	shalt  }
0x71: {  	_ =	shalt  }
0x72: {  	_ =	shalt  }
0x73: {  	_ =	shalt  }
0x74: {  	_ =	shalt  }
0x75: {  	_ =	shalt  }
0x76: {  	_ =	shalt  }
0x77: {  	_ =	shalt  }
0x78: {  	_ =	shalt  }
0x79: {  	_ =	shalt  }
0x7a: {  	_ =	shalt  }
0x7b: {  	_ =	shalt  }
0x7c: {  	_ =	shalt  }
0x7d: {  	_ =	shalt  }
0x7e: {  	_ =	shalt  }
0x7f: {  	_ =	shalt  }
0x80: {  	_ =	shalt  }
0x81: {  	_ =	shalt  }
0x82: {  	_ =	shalt  }
0x83: {  	_ =	shalt  }
0x84: {  	_ =	shalt  }
0x85: {  	_ =	shalt  }
0x86: {  	_ =	shalt  }
0x87: {  	_ =	shalt  }
.Lfunc_end0:
.L_simem_size_0:
called_computation.1_lowered:
.L_overlay_start_0:
0x88: {  	s2 =	sld [smem:$0x3FD9]  }
0x89: {  	s3 =	sld [smem:$0x3FFE];
	_ =	sdelay $0x1  }
0x8a: {  	s1 =	srdreg.scid  }
0x8b: {  	s0 =	sand.u32 $0x1, s1  }
0x8c: {  	s14 =	sshll.u32 s0, $0xA;
	s2 =	sadd.s32 s3, s2  }
0x8d: {  	s2 =	sadd.s32 s2, s14  }
0x8e: {  	[smem:$0x3FC4] =	sst s2  }
0x8f: {  	_ = 	snop  }
0x90: {  	s2 =	sld [smem:$0x3FD0];
	_ =	sdelay $0x2  }
0x91: {  	s15 =	simm.s32 $0xB;
	s4 =	simm.s32 $0x10  }
0x92: {  	[smem:s4], [sflag:s15] =	dma.local [hbm:s2], $0x1  }
0x93: {  	_ =	swait.eq [sflag:s15], $0x1  }
0x94: {  	[sflag:s15] =	ssyncset.done $0x0  }
0x95: {  	[sflag:s15] =	ssyncadd.s32 $0xFFFFFFFF  }
0x96: {  	s16 =	sld [smem:$0x10];
	(tm) =	ssettm $0x1  }
0x97: {  	s17 =	sld [smem:$0x3FFB];
	_ =	sdelay $0x3  }
0x98: {  	_ =	strace s17  }
0x99: {  	s3 =	sld [smem:$0x3FFC];
	_ =	sdelay $0x3  }
0x9a: {  	_ =	strace s3  }
0x9b: {  	s3 =	sld [smem:$0x3FFD];
	_ =	sdelay $0x3  }
0x9c: {  	_ =	strace s3  }
0x9d: {  	_ =	strace $0x8FFFFFFF  }
0x9e: {  	s18 =	sld [smem:$0x3FDB];
	_ =	sdelay $0x1  }
0x9f: {  	s19 =	simm.s32 $_scs_section_size  }
0xa0: {  	s5 =	simm.s32 $_size__tile_overlayer_lowered;
	s6 =	simm.s32 $_tile_overlayer_lowered  }
0xa1: {  	s22 =	simm.s32 $0x1BFF;
	s21 =	sshll.u32 s6, $0x1;
	s3 =	sadd.s32 s19, s18  }
0xa2: {  	s7 =	simm.s32 $0x0;
	s20 =	sshll.u32 s5, $0x1;
	s5 =	sadd.s32 s21, s3  }
0xa3: {  	[timem:s7], [sflag:s22] =	dma.local [hbm:s5], s20  }
0xa4: {  	_ =	swait.ge [sflag:s22], s20  }
0xa5: {  	s4 =	ssub.s32 $0x0, s20;
	[sflag:s22] =	ssyncset.done $0x0  }
0xa6: {  	[sflag:s22] =	ssyncadd.s32 s4;
	_ =	sdelay $0x1  }
0xa7: {  	s23 =	simm.s32 $0x1B8B  }
0xa8: {  	_ =	swait.ge [sflag:s23], $0x1  }
0xa9: {  	[sflag:s23] =	ssyncset.done $0x0  }
0xaa: {  	s25 =	simm.s32 $0x1B8E;
	s24 =	sld [smem:$0x3FFE];
	[sflag:s23] =	ssyncadd.s32 $0xFFFFFFFF  }
0xab: {  	s26 =	simm.s32 $execute0_lowered;
	[smem:$0x3FD2] =	sst s25  }
0xac: {  	s5 =	sshll.u32 s26, $0x1;
	_ =	strace $0x80000046;
	[dreg:$0x1] =	wrdreg $0xFFFFFFFF  }
0xad: {  	s28 =	simm.s32 $_size_execute0_lowered;
	s3 =	sadd.s32 s3, s5;
	[dreg:$0x0] =	wrdreg $0x0  }
0xae: {  	s5 =	sshll.u32 s28, $0x1;
	[dreg:$0x2] =	wrdreg s3  }
0xaf: {  	[dreg:$0x3] =	wrdreg s5  }
0xb0: {  	[dreg:$0x4] =	wrdreg $0xC0  }
0xb1: {  	_ =	task [dreg:s7], $0x5FFFF  }
0xb2: {  	[dreg:$0x1] =	wrdreg $0xFFFFFFFF  }
0xb3: {  	[dreg:$0x0] =	wrdreg $0x60  }
0xb4: {  	[dreg:$0x2] =	wrdreg s24  }
0xb5: {  	[dreg:$0x3] =	wrdreg s16  }
0xb6: {  	[dreg:$0x4] =	wrdreg $0xA  }
0xb7: {  	_ =	task.clear_ibuf [dreg:s7], $0x5FFFF;
	_ =	strace $0x90000046  }
0xb8: {  	s29 =	simm.s32 $0xA;
	_ =	strace $0x80000048  }
0xb9: {  	_ =	swait.ge [sflag:s29], $0x1  }
0xba: {  	[sflag:s29] =	ssyncadd.s32 $0xFFFFFFFF  }
0xbb: {  	_ =	strace $0x90000048  }
0xbc: {  	_ =	sfence  }
0xbd: {  	s30 =	sld [smem:$0x0];
	_ =	sdelay $0x2  }
0xbe: {  	s31 =	sshll.u32 s1, $0xD;
	s1 =	sshrl.u32 s1, $0x2  }
0xbf: {  	s3 =	sand.u32 $0x4000, s31;
	s1 =	sadd.s32 s1, s30  }
0xc0: {  	s0 =	sor.u32 s3, s0;
	s1 =	sshll.u32 s1, $0x11  }
0xc1: {  	s0 =	sor.u32 s1, s0  }
0xc2: {  	s0 =	sadd.s32 $0x8F2B, s0  }
0xc3: {  	[sflag:s0] =	ssyncadd.remote.s32 $0x1  }
0xc4: {  	_ =	sfence.sel $0xFFFF  }
0xc5: {  	[dreg:$0x0] =	wrdreg $0xFFFFFFFF;
	(pc) =	sbr.abs _section_cstart, $3  }
0xc6: {  	[dreg:$0x1] =	wrdreg $0xFFFFFFFF  }
0xc7: {  	_ =	task.clear_ibuf [dreg:s7], $0x2FFFF;
	_ =	strace $0x9FFFFFFF  }
0xc8: {  	(tm) =	ssettm $0x7FFFFFFF  }
0xc9: {  	_ =	shalt  }
tec
execute0_lowered:
.L_overlay_start_1:
0x0: {  	(tag) =	ssettag $0x1  }
0x1: {  	s0 =	srdreg.scid  }
0x2: {  	s12 =	stileid.u32;
	s1 =	rddreg [dreg:$0x0]  }
0x3: {  	s8 =	rddreg [dreg:$0x1];
	s6 =	smul.u32 $0x64000, s12  }
0x4: {  	s17 =	simm.s32 $0x200;
	s18 =	simm.s32 $0x8400;
	s10 =	smul.u32 $0xC800, s12  }
0x5: {  	s0 =	sand.u32 $0x1, s0;
	s2 =	sshll.u32 s12, $0x1;
	s12 =	smul.u32 $0x64, s12  }
0x6: {  	s31 =	simm.s32 $0x280;
	s19 =	simm.s32 $0xA400;
	s11 =	smul.u32 $0x6400, s0  }
0x7: {  	s20 =	simm.s32 $0x300;
	s21 =	simm.s32 $0xC400;
	s25 =	smul.u32 $0x32, s0  }
0x8: {  	s3 =	sor.u32 s0, s2;
	s7 =	ssub.s32 $0x2, s0;
	s0 =	smul.u32 $0x32000, s0  }
0x9: {  	s22 =	simm.s32 $0x380;
	s2 =	simm.s32 $0x0;
	s4 =	smul.u32 $0x32, s3  }
0xa: {  	s9 =	sadd.s32 $0x1000, s1;
	[smem:$0x7FF] =	sst s2;
	s5 =	smul.u32 $0xC80, s3  }
0xb: {  	s3 =	sadd.s32 $0xF5C400, s1;
	s23 =	sshrl.u32 s7, $0x1;
	s6 =	sadd.s32 s6, s8  }
0xc: {  	_ =	strace $0x80000047;
	s1 =	ssub.s32 s7, s23;
	s26 =	sadd.s32 s11, s10  }
0xd: {  	s7 =	sadd.s32 s25, s12;
	s6 =	sadd.s32 s0, s6;
	s10 =	simm.s32 $0x80  }
0xe: {  	s11 =	simm.s32 $0x400;
	[dreg:$0x6] =	wrdreg s31;
	s23 =	simm.s32 $0xE400  }
0xf: {  	s25 =	simm.s32 $0x2;
	s24 =	sadd.s32 $0x32, s4;
	s4 =	sadd.s32 s9, s5  }
0x10: {  	s5 =	smax.u32 s1, $0x1;
	s1 =	sor.u32 $0x200, s26;
	s7 =	sadd.s32 $0x2, s7  }
0x11: {  	s26 =	simm.s32 $0x0;
	[dreg:$0x3] =	wrdreg s24;
	s28 =	sshrl.u32 s1, $0x3  }
0x12: {  	s1 =	sshll.u32 s1, $0x3;
	s29 =	sshll.u32 s7, $0x6;
	s0 =	sadd.s32 s28, s9  }
0x13: {  	s24 =	simm.s32 $0x1;
	s30 =	sadd.s32 s29, s9;
	[dreg:$0x4] =	wrdreg s0  }
0x14: {  	s8 =	sadd.s32 s1, s8;
	s9 =	simm.s32 $0x3;
	[dreg:$0x5] =	wrdreg s30  }
.LBB2_1:
0x15: {  	[tilespmem:s2], [sflag:$0x3] =	stream.linear.gather [hbm4b:s4+s2], $0x200, $0x38;
	[tilespmem:$0x10400] =	vst v63  }
0x16: {  	_ =	swait.ge [sflag:s9], $0x200  }
0x17: {  	[sflag:s9] =	ssyncset.done $0x0  }
0x18: {  	[sflag:s9] =	ssyncadd.s32 $0xFFFFFE00  }
0x19: {  	[tilespmem:s11], [sflag:$0x1] =	stream.indirect.gather [hbm4b:s3+s10], $0x40, s2, s10, $0xb8;
	[tilespmem:$0x10400] =	vst v63  }
0x1a: {  	s0 =	simm.s32 $0x2400  }
0x1b: {  	[tilespmem:s0], [sflag:$0x1] =	stream.indirect.gather [hbm4b:s3+s10], $0x40, s10, s10, $0xb8;
	[tilespmem:$0x10400] =	vst v63  }
0x1c: {  	s12 =	simm.s32 $0x100;
	s1 =	simm.s32 $0x4400  }
0x1d: {  	[tilespmem:s1], [sflag:$0x1] =	stream.indirect.gather [hbm4b:s3+s10], $0x40, s12, s10, $0xb8;
	[tilespmem:$0x10400] =	vst v63  }
0x1e: {  	s14 =	simm.s32 $0x180;
	s13 =	rddreg [dreg:$0x4];
	s12 =	simm.s32 $0x6400  }
0x1f: {  	[tilespmem:s12], [sflag:$0x1] =	stream.indirect.gather [hbm4b:s3+s10], $0x40, s14, s10, $0xb8;
	[tilespmem:$0x10400] =	vst v63  }
0x20: {  	s0 =	sadd.s32 $0x0, s13  }
0x21: {  	[tilespmem:s17], [sflag:$0x3] =	stream.linear.gather [hbm4b:s0+s2], $0x200, $0x38;
	[tilespmem:$0x10400] =	vst v63  }
0x22: {  	_ =	swait.ge [sflag:s9], $0x200  }
0x23: {  	[sflag:s9] =	ssyncset.done $0x0  }
0x24: {  	[sflag:s9] =	ssyncadd.s32 $0xFFFFFE00  }
0x25: {  	[tilespmem:s18], [sflag:$0x2] =	stream.indirect.gather [hbm4b:s3+s10], $0x40, s17, s10, $0xb8;
	[tilespmem:$0x10400] =	vst v63  }
0x26: {  	s15 =	rddreg [dreg:$0x6]  }
0x27: {  	[tilespmem:s19], [sflag:$0x2] =	stream.indirect.gather [hbm4b:s3+s10], $0x40, s15, s10, $0xb8;
	[tilespmem:$0x10400] =	vst v63  }
0x28: {  	_ = 	snop  }
0x29: {  	[tilespmem:s21], [sflag:$0x2] =	stream.indirect.gather [hbm4b:s3+s10], $0x40, s20, s10, $0xb8;
	[tilespmem:$0x10400] =	vst v63  }
0x2a: {  	_ = 	snop  }
0x2b: {  	[tilespmem:s23], [sflag:$0x2] =	stream.indirect.gather [hbm4b:s3+s10], $0x40, s22, s10, $0xb8;
	[tilespmem:$0x10400] =	vst v63  }
0x2c: {  	_ =	swait.ge [sflag:s24], $0x2000  }
0x2d: {  	[sflag:s24] =	ssyncset.done $0x0  }
0x2e: {  	[sflag:s24] =	ssyncadd.s32 $0xFFFFE000  }
0x2f: {  	_ =	swait.ge [sflag:s24], $0x2000  }
0x30: {  	[sflag:s24] =	ssyncset.done $0x0  }
0x31: {  	[sflag:s24] =	ssyncadd.s32 $0xFFFFE000  }
0x32: {  	_ =	swait.ge [sflag:s24], $0x2000  }
0x33: {  	[sflag:s24] =	ssyncset.done $0x0  }
0x34: {  	[sflag:s24] =	ssyncadd.s32 $0xFFFFE000  }
0x35: {  	_ =	swait.ge [sflag:s24], $0x2000  }
0x36: {  	[sflag:s24] =	ssyncset.done $0x0  }
0x37: {  	[sflag:s24] =	ssyncadd.s32 $0xFFFFE000  }
0x38: {  	[hbm4b:s6+s2] =	stream.linear.scatter [tilespmem:s11], [sflag:$0x3], $0x8000, $0x38;
	[tilespmem:$0x10400] =	vst v63  }
0x39: {  	_ =	swait.ge [sflag:s9], $0x8000  }
0x3a: {  	s16 =	rddreg [dreg:$0x3];
	[sflag:s9] =	ssyncset.done $0x0  }
0x3b: {  	s1 =	rddreg [dreg:$0x5];
	[sflag:s9] =	ssyncadd.s32 $0xFFFF8000;
	p0 =	sge.u32 s7, s16  }
0x3c: {  	s0 =	sadd.s32 @!p0 $0x0, s1;
	s1 =	simm.s32 @!p0 $0x0;
	s12 =	simm.s32 @!p0 $0x3  }
0x3d: {  	[tilespmem:s1], [sflag:$0x3] =	stream.linear.gather @!p0 [hbm4b:s0+s1], $0x200, $0x38;
	[tilespmem:$0x10400] =	vst v63  }
0x3e: {  	_ =	swait.ge @!p0 [sflag:s12], $0x200  }
0x3f: {  	[sflag:s12] =	ssyncset.done @!p0 $0x0  }
0x40: {  	s28 =	simm.s32 @!p0 $0x400;
	s0 =	simm.s32 @!p0 $0x80;
	[sflag:s12] =	ssyncadd.s32 @!p0 $0xFFFFFE00  }
0x41: {  	[tilespmem:s28], [sflag:$0x1] =	stream.indirect.gather @!p0 [hbm4b:s3+s0], $0x40, s1, s0, $0xb8;
	[tilespmem:$0x10400] =	vst v63  }
0x42: {  	s1 =	simm.s32 @!p0 $0x2400  }
0x43: {  	[tilespmem:s1], [sflag:$0x1] =	stream.indirect.gather @!p0 [hbm4b:s3+s0], $0x40, s0, s0, $0xb8;
	[tilespmem:$0x10400] =	vst v63  }
0x44: {  	s12 =	simm.s32 @!p0 $0x4400;
	s1 =	simm.s32 @!p0 $0x100  }
0x45: {  	[tilespmem:s12], [sflag:$0x1] =	stream.indirect.gather @!p0 [hbm4b:s3+s0], $0x40, s1, s0, $0xb8;
	[tilespmem:$0x10400] =	vst v63  }
0x46: {  	s1 =	simm.s32 @!p0 $0x180;
	s12 =	simm.s32 @!p0 $0x6400  }
0x47: {  	[tilespmem:s12], [sflag:$0x1] =	stream.indirect.gather @!p0 [hbm4b:s3+s0], $0x40, s1, s0, $0xb8;
	[tilespmem:$0x10400] =	vst v63  }
0x48: {  	_ =	swait.ge [sflag:s25], $0x2000  }
0x49: {  	[sflag:s25] =	ssyncset.done $0x0  }
0x4a: {  	[sflag:s25] =	ssyncadd.s32 $0xFFFFE000  }
0x4b: {  	_ =	swait.ge [sflag:s25], $0x2000  }
0x4c: {  	[sflag:s25] =	ssyncset.done $0x0  }
0x4d: {  	[sflag:s25] =	ssyncadd.s32 $0xFFFFE000  }
0x4e: {  	_ =	swait.ge [sflag:s25], $0x2000  }
0x4f: {  	[sflag:s25] =	ssyncset.done $0x0  }
0x50: {  	[sflag:s25] =	ssyncadd.s32 $0xFFFFE000  }
0x51: {  	s30 =	simm.s32 $0x80;
	_ =	swait.ge [sflag:s25], $0x2000  }
0x52: {  	s29 =	sadd.s32 $0x2, s7;
	s31 =	smov.u32 s6;
	[sflag:s25] =	ssyncset.done $0x0  }
0x53: {  	s28 =	sadd.s32 $0x2000, s8;
	s1 =	simm.s32 $0x100;
	[sflag:s25] =	ssyncadd.s32 $0xFFFFE000  }
0x54: {  	[hbm4b:s8+s2] =	stream.linear.scatter [tilespmem:s18], [sflag:$0x3], $0x8000, $0x38;
	[tilespmem:$0x10400] =	vst v63  }
.LBB2_2:
0x55: {  	_ =	swait.ge [sflag:s9], $0x8000  }
0x56: {  	s13 =	rddreg [dreg:$0x4];
	[sflag:s9] =	ssyncset.done $0x0  }
0x57: {  	[sflag:s9] =	ssyncadd.s32 $0xFFFF8000;
	s13 =	sadd.s32 s30, s13  }
0x58: {  	[tilespmem:s17], [sflag:$0x3] =	stream.linear.gather [hbm4b:s13+s2], $0x200, $0x38;
	[tilespmem:$0x10400] =	vst v63  }
0x59: {  	_ =	swait.ge [sflag:s9], $0x200  }
0x5a: {  	[sflag:s9] =	ssyncset.done $0x0  }
0x5b: {  	[sflag:s9] =	ssyncadd.s32 $0xFFFFFE00  }
0x5c: {  	[tilespmem:s18], [sflag:$0x2] =	stream.indirect.gather [hbm4b:s3+s10], $0x40, s17, s10, $0xb8;
	[tilespmem:$0x10400] =	vst v63  }
0x5d: {  	s15 =	rddreg [dreg:$0x6]  }
0x5e: {  	[tilespmem:s19], [sflag:$0x2] =	stream.indirect.gather [hbm4b:s3+s10], $0x40, s15, s10, $0xb8;
	[tilespmem:$0x10400] =	vst v63  }
0x5f: {  	_ = 	snop  }
0x60: {  	[tilespmem:s21], [sflag:$0x2] =	stream.indirect.gather [hbm4b:s3+s10], $0x40, s20, s10, $0xb8;
	[tilespmem:$0x10400] =	vst v63  }
0x61: {  	_ = 	snop  }
0x62: {  	[tilespmem:s23], [sflag:$0x2] =	stream.indirect.gather [hbm4b:s3+s10], $0x40, s22, s10, $0xb8;
	[tilespmem:$0x10400] =	vst v63  }
0x63: {  	_ =	swait.ge [sflag:s24], $0x2000  }
0x64: {  	[sflag:s24] =	ssyncset.done $0x0  }
0x65: {  	[sflag:s24] =	ssyncadd.s32 $0xFFFFE000  }
0x66: {  	_ =	swait.ge [sflag:s24], $0x2000  }
0x67: {  	[sflag:s24] =	ssyncset.done $0x0  }
0x68: {  	[sflag:s24] =	ssyncadd.s32 $0xFFFFE000  }
0x69: {  	_ =	swait.ge [sflag:s24], $0x2000  }
0x6a: {  	[sflag:s24] =	ssyncset.done $0x0  }
0x6b: {  	[sflag:s24] =	ssyncadd.s32 $0xFFFFE000  }
0x6c: {  	_ =	swait.ge [sflag:s24], $0x2000  }
0x6d: {  	[sflag:s24] =	ssyncset.done $0x0  }
0x6e: {  	s31 =	sadd.s32 $0x2000, s31;
	[sflag:s24] =	ssyncadd.s32 $0xFFFFE000  }
0x6f: {  	[hbm4b:s31+s2] =	stream.linear.scatter [tilespmem:s11], [sflag:$0x3], $0x8000, $0x38;
	[tilespmem:$0x10400] =	vst v63  }
0x70: {  	_ =	swait.ge [sflag:s9], $0x8000  }
0x71: {  	s16 =	rddreg [dreg:$0x3];
	[sflag:s9] =	ssyncset.done $0x0  }
0x72: {  	s14 =	rddreg [dreg:$0x5];
	[sflag:s9] =	ssyncadd.s32 $0xFFFF8000;
	p1 =	sge.u32 s29, s16  }
0x73: {  	s13 =	sadd.s32 @!p1 s30, s14;
	s14 =	simm.s32 @!p1 $0x0;
	s15 =	simm.s32 @!p1 $0x3  }
0x74: {  	[tilespmem:s14], [sflag:$0x3] =	stream.linear.gather @!p1 [hbm4b:s13+s14], $0x200, $0x38;
	[tilespmem:$0x10400] =	vst v63  }
0x75: {  	s12 =	smov.u32 s1;
	_ =	swait.ge @!p1 [sflag:s15], $0x200  }
0x76: {  	s30 =	smov.u32 s12;
	[sflag:s15] =	ssyncset.done @!p1 $0x0  }
0x77: {  	s12 =	simm.s32 @!p1 $0x80;
	s13 =	simm.s32 @!p1 $0x400;
	[sflag:s15] =	ssyncadd.s32 @!p1 $0xFFFFFE00  }
0x78: {  	[tilespmem:s13], [sflag:$0x1] =	stream.indirect.gather @!p1 [hbm4b:s3+s12], $0x40, s14, s12, $0xb8;
	[tilespmem:$0x10400] =	vst v63  }
0x79: {  	s15 =	simm.s32 @!p1 $0x2400  }
0x7a: {  	[tilespmem:s15], [sflag:$0x1] =	stream.indirect.gather @!p1 [hbm4b:s3+s12], $0x40, s12, s12, $0xb8;
	[tilespmem:$0x10400] =	vst v63  }
0x7b: {  	s13 =	simm.s32 @!p1 $0x100;
	s14 =	simm.s32 @!p1 $0x4400  }
0x7c: {  	[tilespmem:s14], [sflag:$0x1] =	stream.indirect.gather @!p1 [hbm4b:s3+s12], $0x40, s13, s12, $0xb8;
	[tilespmem:$0x10400] =	vst v63  }
0x7d: {  	s16 =	simm.s32 @!p1 $0x6400;
	s15 =	simm.s32 @!p1 $0x180  }
0x7e: {  	[tilespmem:s16], [sflag:$0x1] =	stream.indirect.gather @!p1 [hbm4b:s3+s12], $0x40, s15, s12, $0xb8;
	[tilespmem:$0x10400] =	vst v63  }
0x7f: {  	_ =	swait.ge [sflag:s25], $0x2000  }
0x80: {  	[sflag:s25] =	ssyncset.done $0x0  }
0x81: {  	[sflag:s25] =	ssyncadd.s32 $0xFFFFE000  }
0x82: {  	_ =	swait.ge [sflag:s25], $0x2000  }
0x83: {  	[sflag:s25] =	ssyncset.done $0x0  }
0x84: {  	[sflag:s25] =	ssyncadd.s32 $0xFFFFE000  }
0x85: {  	s1 =	sadd.s32 $0x80, s1;
	_ =	swait.ge [sflag:s25], $0x2000  }
0x86: {  	p0 =	sne.s32 s1, $0xC80;
	[sflag:s25] =	ssyncset.done $0x0  }
.Ltmp0:
0x87: {  	[sflag:s25] =	ssyncadd.s32 $0xFFFFE000;
	(pc) =	sbr.rel @p0 .LBB2_2-.Ltmp0, $4  }
0x88: {  	_ =	swait.ge [sflag:s25], $0x2000  }
0x89: {  	s0 =	smov.u32 s28;
	[sflag:s25] =	ssyncset.done $0x0  }
0x8a: {  	s28 =	sadd.s32 $0x2000, s28;
	s29 =	sadd.s32 $0x2, s29;
	[sflag:s25] =	ssyncadd.s32 $0xFFFFE000  }
0x8b: {  	[hbm4b:s0+s2] =	stream.linear.scatter [tilespmem:s18], [sflag:$0x3], $0x8000, $0x38;
	[tilespmem:$0x10400] =	vst v63  }
0x8c: {  	_ =	swait.ge [sflag:s9], $0x8000  }
0x8d: {  	s0 =	rddreg [dreg:$0x4];
	[sflag:s9] =	ssyncset.done $0x0  }
0x8e: {  	[sflag:s9] =	ssyncadd.s32 $0xFFFF8000;
	s0 =	sadd.s32 s30, s0  }
0x8f: {  	[tilespmem:s17], [sflag:$0x3] =	stream.linear.gather [hbm4b:s0+s2], $0x200, $0x38;
	[tilespmem:$0x10400] =	vst v63  }
0x90: {  	_ =	swait.ge [sflag:s9], $0x200  }
0x91: {  	[sflag:s9] =	ssyncset.done $0x0  }
0x92: {  	[sflag:s9] =	ssyncadd.s32 $0xFFFFFE00  }
0x93: {  	[tilespmem:s18], [sflag:$0x2] =	stream.indirect.gather [hbm4b:s3+s10], $0x40, s17, s10, $0xb8;
	[tilespmem:$0x10400] =	vst v63  }
0x94: {  	s15 =	rddreg [dreg:$0x6]  }
0x95: {  	[tilespmem:s19], [sflag:$0x2] =	stream.indirect.gather [hbm4b:s3+s10], $0x40, s15, s10, $0xb8;
	[tilespmem:$0x10400] =	vst v63  }
0x96: {  	_ = 	snop  }
0x97: {  	[tilespmem:s21], [sflag:$0x2] =	stream.indirect.gather [hbm4b:s3+s10], $0x40, s20, s10, $0xb8;
	[tilespmem:$0x10400] =	vst v63  }
0x98: {  	_ = 	snop  }
0x99: {  	[tilespmem:s23], [sflag:$0x2] =	stream.indirect.gather [hbm4b:s3+s10], $0x40, s22, s10, $0xb8;
	[tilespmem:$0x10400] =	vst v63  }
0x9a: {  	_ =	swait.ge [sflag:s24], $0x2000  }
0x9b: {  	[sflag:s24] =	ssyncset.done $0x0  }
0x9c: {  	[sflag:s24] =	ssyncadd.s32 $0xFFFFE000  }
0x9d: {  	_ =	swait.ge [sflag:s24], $0x2000  }
0x9e: {  	[sflag:s24] =	ssyncset.done $0x0  }
0x9f: {  	[sflag:s24] =	ssyncadd.s32 $0xFFFFE000  }
0xa0: {  	_ =	swait.ge [sflag:s24], $0x2000  }
0xa1: {  	[sflag:s24] =	ssyncset.done $0x0  }
0xa2: {  	[sflag:s24] =	ssyncadd.s32 $0xFFFFE000  }
0xa3: {  	_ =	swait.ge [sflag:s24], $0x2000  }
0xa4: {  	[sflag:s24] =	ssyncset.done $0x0  }
0xa5: {  	s16 =	sadd.s32 $0x2000, s31;
	[sflag:s24] =	ssyncadd.s32 $0xFFFFE000  }
0xa6: {  	[hbm4b:s16+s2] =	stream.linear.scatter [tilespmem:s11], [sflag:$0x3], $0x8000, $0x38;
	[tilespmem:$0x10400] =	vst v63  }
0xa7: {  	_ =	swait.ge [sflag:s9], $0x8000  }
0xa8: {  	s31 =	rddreg [dreg:$0x3];
	[sflag:s9] =	ssyncset.done $0x0  }
0xa9: {  	s1 =	rddreg [dreg:$0x5];
	[sflag:s9] =	ssyncadd.s32 $0xFFFF8000;
	p0 =	sge.u32 s29, s31  }
0xaa: {  	s0 =	sadd.s32 @!p0 s30, s1;
	s1 =	simm.s32 @!p0 $0x0;
	s12 =	simm.s32 @!p0 $0x3  }
0xab: {  	[tilespmem:s1], [sflag:$0x3] =	stream.linear.gather @!p0 [hbm4b:s0+s1], $0x200, $0x38;
	[tilespmem:$0x10400] =	vst v63  }
0xac: {  	_ =	swait.ge @!p0 [sflag:s12], $0x200  }
0xad: {  	[sflag:s12] =	ssyncset.done @!p0 $0x0  }
0xae: {  	s13 =	simm.s32 @!p0 $0x400;
	s0 =	simm.s32 @!p0 $0x80;
	[sflag:s12] =	ssyncadd.s32 @!p0 $0xFFFFFE00  }
0xaf: {  	[tilespmem:s13], [sflag:$0x1] =	stream.indirect.gather @!p0 [hbm4b:s3+s0], $0x40, s1, s0, $0xb8;
	[tilespmem:$0x10400] =	vst v63  }
0xb0: {  	s1 =	simm.s32 @!p0 $0x2400  }
0xb1: {  	[tilespmem:s1], [sflag:$0x1] =	stream.indirect.gather @!p0 [hbm4b:s3+s0], $0x40, s0, s0, $0xb8;
	[tilespmem:$0x10400] =	vst v63  }
0xb2: {  	s12 =	simm.s32 @!p0 $0x4400;
	s1 =	simm.s32 @!p0 $0x100  }
0xb3: {  	[tilespmem:s12], [sflag:$0x1] =	stream.indirect.gather @!p0 [hbm4b:s3+s0], $0x40, s1, s0, $0xb8;
	[tilespmem:$0x10400] =	vst v63  }
0xb4: {  	s1 =	simm.s32 @!p0 $0x180;
	s12 =	simm.s32 @!p0 $0x6400  }
0xb5: {  	[tilespmem:s12], [sflag:$0x1] =	stream.indirect.gather @!p0 [hbm4b:s3+s0], $0x40, s1, s0, $0xb8;
	[tilespmem:$0x10400] =	vst v63  }
0xb6: {  	_ =	swait.ge [sflag:s25], $0x2000  }
0xb7: {  	[sflag:s25] =	ssyncset.done $0x0  }
0xb8: {  	[sflag:s25] =	ssyncadd.s32 $0xFFFFE000  }
0xb9: {  	_ =	swait.ge [sflag:s25], $0x2000  }
0xba: {  	[sflag:s25] =	ssyncset.done $0x0  }
0xbb: {  	[sflag:s25] =	ssyncadd.s32 $0xFFFFE000  }
0xbc: {  	_ =	swait.ge [sflag:s25], $0x2000  }
0xbd: {  	[sflag:s25] =	ssyncset.done $0x0  }
0xbe: {  	[sflag:s25] =	ssyncadd.s32 $0xFFFFE000  }
0xbf: {  	s26 =	sadd.s32 $0x1, s26;
	_ =	swait.ge [sflag:s25], $0x2000  }
0xc0: {  	p0 =	sne.s32 s26, s5;
	[sflag:s25] =	ssyncset.done $0x0  }
.Ltmp1:
0xc1: {  	[sflag:s25] =	ssyncadd.s32 $0xFFFFE000;
	(pc) =	sbr.rel @p0 .LBB2_1-.Ltmp1, $4  }
0xc2: {  	[hbm4b:s28+s2] =	stream.linear.scatter [tilespmem:s18], [sflag:$0x3], $0x8000, $0x38;
	[tilespmem:$0x10400] =	vst v63  }
0xc3: {  	_ =	swait.ge [sflag:s9], $0x8000  }
0xc4: {  	[sflag:s9] =	ssyncset.done $0x0  }
0xc5: {  	[sflag:s9] =	ssyncadd.s32 $0xFFFF8000  }
0xc6: {  	_ =	sfence.sel $0x180000  }
0xc7: {  	[bflag:$0x0] =	sbarrier.arrive $0xFFFF  }
0xc8: {  	_ =	strace $0x90000047  }
0xc9: {  	s0 =	stileid.u32;
	[bflag:$0x2] =	sbarrier.arrive $0xFFFF  }
0xca: {  	p0 =	sne.s32 s0, $0x0;
	s0 =	rddreg [dreg:$0x2]  }
0xcb: {  	s0 =	sadd.s32 @!p0 $0x100000, s0  }
0xcc: {  	[sflag:s0] =	ssyncadd.tile.s32 @!p0 $0x1;
	_ =	shalt  }
.Lfunc_end2:
_tile_overlayer_lowered:
.L_overlay_start_2:
0xcd: {  	(tag) =	ssettag $0x2  }
0xce: {  	s0 =	rddreg [dreg:$0x0];
	s2 =	stileid.u32  }
0xcf: {  	s1 =	rddreg [dreg:$0x1];
	p0 =	sne.s32 s2, $0x0  }
0xd0: {  	s3 =	rddreg [dreg:$0x2];
	[bflag:$0x3] =	sbarrier.arrive $0xFFFF;
	s2 =	simm.s32 @!p0 $0x1C03  }
0xd1: {  	[timem:s3], [sflag:s2] =	dma.local @!p0 [hbm:s0], s1  }
0xd2: {  	s0 =	simm.s32 @!p0 $0x3  }
0xd3: {  	_ =	swait.ge @!p0 [sflag:s0], s1  }
0xd4: {  	s1 =	ssub.s32 @!p0 $0x0, s1;
	[sflag:s0] =	ssyncset.done @!p0 $0x0  }
0xd5: {  	[sflag:s0] =	ssyncadd.s32 @!p0 s1  }
0xd6: {  	[bflag:$0x3] =	sbarrier.arrive $0xFFFF  }
0xd7: {  	_ =	shalt  }

// kernel: kernel.7.cloned.1.call-start
scs
__scs_entry_jumppad:
0x0: {  	(pc) =	sbr.rel $0x88, $3  }
0x1: {  	(tag) =	ssettag $0x0;
	lr =	simm.s32 $0x1  }
0x2: {  	[smem:$0x3F9D] =	sst lr;
	_ =	strace $0xD0000000  }
0x3: {  	_ = 	snop  }
0x4: {  	_ = 	snop  }
0x5: {  	_ = 	snop  }
0x6: {  	_ = 	snop  }
0x7: {  	_ = 	snop  }
__scs_overlays_trampoline_lowered:
0x8: {  	[smem:$0x3FAC] =	sst s0  }
0x9: {  	[smem:$0x3FAD] =	sst s1  }
0xa: {  	[smem:$0x3FAE] =	sst s2  }
0xb: {  	[smem:$0x3FAF] =	sst s3  }
0xc: {  	[smem:$0x3FB0] =	sst s4  }
0xd: {  	[smem:$0x3FB1] =	sst s5  }
0xe: {  	[smem:$0x3FB2] =	sst s6  }
0xf: {  	[smem:$0x3FB3] =	sst s7  }
0x10: {  	[smem:$0x3FB4] =	sst s8  }
0x11: {  	[smem:$0x3FB5] =	sst s9;
	s0 =	simm.s32 @!p0 $0x0  }
0x12: {  	s1 =	sld [smem:$0x3F9B];
	s0 =	simm.s32 @p0 $0x1  }
0x13: {  	[smem:$0x3FB6] =	sst s0;
	s0 =	simm.s32 @!p1 $0x0  }
0x14: {  	s2 =	sld [smem:$0x3F9A];
	s0 =	simm.s32 @p1 $0x1  }
0x15: {  	[smem:$0x3FB7] =	sst s0;
	s0 =	simm.s32 @!p2 $0x0  }
0x16: {  	s3 =	sld [smem:$0x3FDB];
	s0 =	simm.s32 @p2 $0x1  }
0x17: {  	s4 =	simm.s32 $0x1BF5;
	[smem:$0x3FB9] =	sst s0  }
0x18: {  	s0 =	sld [smem:$0x3F9C];
	_ =	swait.ge [sflag:s4], $0x0  }
0x19: {  	s7 =	sld [smem:$0x3F9D]  }
0x1a: {  	s8 =	sadd.s32 $0xFFFFE003, lr  }
0x1b: {  	s9 =	sadd.s32 $0xFFFFFEF7, lr;
	s5 =	simm.s32 $0xFFFFFFFF;
	p2 =	slt.u32 s8, $0xFFFFF086  }
0x1c: {  	p1 =	slt.u32 s9, $0xF7A;
	s5 =	simm.s32 @!p2 $0x0  }
0x1d: {  	s5 =	simm.s32 @p1 $0x1;
	p0 =	seq.s32 s7, s2  }
0x1e: {  	s7 =	smul.u32 @!p0 $0xF7A, s2;
	p2 =	seq.s32 @!p0 s5, $0x0  }
0x1f: {  	s9 =	smul.u32 $0xF7A, s1;
	s8 =	simm.s32 @!p0 $0x1BF5;
	p2 =	por !p2, p0  }
0x20: {  	[sflag:s8] =	ssyncset.s32 @!p0 $0xFFFFF086;
	s6 =	sadd.s32 @!p0 s3, s7;
	s7 =	simm.s32 @!p0 $0x108  }
0x21: {  	s3 =	sadd.s32 s3, s9;
	s6 =	sadd.s32 @!p0 $0x88, s6;
	s7 =	simm.s32 @p2 $0x1082  }
0x22: {  	[simem:s7], [sflag:s8] =	dma.local @!p0 [hbm:s6], $0xF7A  }
0x23: {  	s9 =	sor.u32 $0xD0000000, s2;
	s6 =	simm.s32 $0x108;
	_ =	swait.ge @!p0 [sflag:s8], $0x0  }
0x24: {  	s3 =	sadd.s32 $0x88, s3;
	s6 =	simm.s32 @!p1 $0x1082;
	[sflag:s4] =	ssyncset.s32 $0xFFFFF086  }
0x25: {  	[simem:s6], [sflag:s4] =	dma.local [hbm:s3], $0xF7A  }
0x26: {  	[smem:$0x3F9D] =	sst s1;
	(tag) =	ssettag s2;
	_ =	strace s9  }
0x27: {  	s1 =	sld [smem:$0x3FAD]  }
0x28: {  	s2 =	sld [smem:$0x3FAE]  }
0x29: {  	s4 =	sld [smem:$0x3FB0]  }
0x2a: {  	p0 =	seq.s32 s5, $0x0;
	s5 =	sld [smem:$0x3FB1]  }
0x2b: {  	s6 =	sld [smem:$0x3FB2]  }
0x2c: {  	s7 =	sld [smem:$0x3FB3]  }
0x2d: {  	s3 =	simm.s32 $0x108;
	s8 =	sld [smem:$0x3FB4]  }
0x2e: {  	s3 =	simm.s32 @!p0 $0x1082;
	s9 =	sld [smem:$0x3FB5]  }
0x2f: {  	lr =	sadd.s32 s0, s3;
	s0 =	sld [smem:$0x3FAC]  }
0x30: {  	s3 =	sld [smem:$0x3FAF]  }
0x31: {  	[smem:$0x3FB8] =	sst s10  }
0x32: {  	s10 =	sld [smem:$0x3FB6];
	_ =	sdelay $0x3  }
0x33: {  	p0 =	seq.s32 s10, $0x1;
	s10 =	sld [smem:$0x3FB8];
	_ =	sdelay $0x3  }
0x34: {  	[smem:$0x3FB8] =	sst s10  }
0x35: {  	s10 =	sld [smem:$0x3FB7];
	_ =	sdelay $0x3  }
0x36: {  	p1 =	seq.s32 s10, $0x1;
	s10 =	sld [smem:$0x3FB8];
	_ =	sdelay $0x3  }
0x37: {  	[smem:$0x3FB8] =	sst s10  }
0x38: {  	s10 =	sld [smem:$0x3FB9]  }
0x39: {  	_ = 	snop;
	(pc) =	sbr.ind lr, $3  }
0x3a: {  	_ = 	snop  }
0x3b: {  	_ = 	snop  }
0x3c: {  	p2 =	seq.s32 s10, $0x1;
	s10 =	sld [smem:$0x3FB8]  }
0x3d: {  	_ =	shalt  }
0x3e: {  	_ =	shalt  }
0x3f: {  	_ =	shalt  }
0x40: {  	_ =	shalt  }
0x41: {  	_ =	shalt  }
0x42: {  	_ =	shalt  }
0x43: {  	_ =	shalt  }
0x44: {  	_ =	shalt  }
0x45: {  	_ =	shalt  }
0x46: {  	_ =	shalt  }
0x47: {  	_ =	shalt  }
0x48: {  	_ =	shalt  }
0x49: {  	_ =	shalt  }
0x4a: {  	_ =	shalt  }
0x4b: {  	_ =	shalt  }
0x4c: {  	_ =	shalt  }
0x4d: {  	_ =	shalt  }
0x4e: {  	_ =	shalt  }
0x4f: {  	_ =	shalt  }
0x50: {  	_ =	shalt  }
0x51: {  	_ =	shalt  }
0x52: {  	_ =	shalt  }
0x53: {  	_ =	shalt  }
0x54: {  	_ =	shalt  }
0x55: {  	_ =	shalt  }
0x56: {  	_ =	shalt  }
0x57: {  	_ =	shalt  }
0x58: {  	_ =	shalt  }
0x59: {  	_ =	shalt  }
0x5a: {  	_ =	shalt  }
0x5b: {  	_ =	shalt  }
0x5c: {  	_ =	shalt  }
0x5d: {  	_ =	shalt  }
0x5e: {  	_ =	shalt  }
0x5f: {  	_ =	shalt  }
0x60: {  	_ =	shalt  }
0x61: {  	_ =	shalt  }
0x62: {  	_ =	shalt  }
0x63: {  	_ =	shalt  }
0x64: {  	_ =	shalt  }
0x65: {  	_ =	shalt  }
0x66: {  	_ =	shalt  }
0x67: {  	_ =	shalt  }
0x68: {  	_ =	shalt  }
0x69: {  	_ =	shalt  }
0x6a: {  	_ =	shalt  }
0x6b: {  	_ =	shalt  }
0x6c: {  	_ =	shalt  }
0x6d: {  	_ =	shalt  }
0x6e: {  	_ =	shalt  }
0x6f: {  	_ =	shalt  }
0x70: {  	_ =	shalt  }
0x71: {  	_ =	shalt  }
0x72: {  	_ =	shalt  }
0x73: {  	_ =	shalt  }
0x74: {  	_ =	shalt  }
0x75: {  	_ =	shalt  }
0x76: {  	_ =	shalt  }
0x77: {  	_ =	shalt  }
0x78: {  	_ =	shalt  }
0x79: {  	_ =	shalt  }
0x7a: {  	_ =	shalt  }
0x7b: {  	_ =	shalt  }
0x7c: {  	_ =	shalt  }
0x7d: {  	_ =	shalt  }
0x7e: {  	_ =	shalt  }
0x7f: {  	_ =	shalt  }
0x80: {  	_ =	shalt  }
0x81: {  	_ =	shalt  }
0x82: {  	_ =	shalt  }
0x83: {  	_ =	shalt  }
0x84: {  	_ =	shalt  }
0x85: {  	_ =	shalt  }
0x86: {  	_ =	shalt  }
0x87: {  	_ =	shalt  }
.Lfunc_end0:
.L_simem_size_0:
called_computation.2_lowered:
.L_overlay_start_0:
0x88: {  	s2 =	sld [smem:$0x3FD9]  }
0x89: {  	s3 =	sld [smem:$0x3FFE];
	_ =	sdelay $0x1  }
0x8a: {  	s1 =	srdreg.scid  }
0x8b: {  	s0 =	sand.u32 $0x1, s1  }
0x8c: {  	s15 =	sshll.u32 s0, $0xA;
	s2 =	sadd.s32 s3, s2  }
0x8d: {  	s2 =	sadd.s32 s2, s15  }
0x8e: {  	[smem:$0x3FC4] =	sst s2  }
0x8f: {  	_ = 	snop  }
0x90: {  	s2 =	sld [smem:$0x3FD0];
	_ =	sdelay $0x2  }
0x91: {  	s16 =	simm.s32 $0xB;
	s4 =	simm.s32 $0x10  }
0x92: {  	[smem:s4], [sflag:s16] =	dma.local [hbm:s2], $0x1  }
0x93: {  	_ =	swait.eq [sflag:s16], $0x1  }
0x94: {  	[sflag:s16] =	ssyncset.done $0x0  }
0x95: {  	[sflag:s16] =	ssyncadd.s32 $0xFFFFFFFF  }
0x96: {  	s17 =	sld [smem:$0x11];
	(tm) =	ssettm $0x1  }
0x97: {  	s18 =	sld [smem:$0x3FFB];
	_ =	sdelay $0x3  }
0x98: {  	_ =	strace s18  }
0x99: {  	s2 =	sld [smem:$0x3FFC];
	_ =	sdelay $0x3  }
0x9a: {  	_ =	strace s2  }
0x9b: {  	s2 =	sld [smem:$0x3FFD];
	_ =	sdelay $0x3  }
0x9c: {  	_ =	strace s2  }
0x9d: {  	_ =	strace $0x8FFFFFFF  }
0x9e: {  	s19 =	sld [smem:$0x3FDB];
	_ =	sdelay $0x1  }
0x9f: {  	s20 =	simm.s32 $_scs_section_size  }
0xa0: {  	s5 =	simm.s32 $_size__tile_overlayer_lowered;
	s6 =	simm.s32 $_tile_overlayer_lowered  }
0xa1: {  	s7 =	simm.s32 $0x1BFF;
	s21 =	sshll.u32 s6, $0x1;
	s4 =	sadd.s32 s20, s19  }
0xa2: {  	s22 =	simm.s32 $0x0;
	s5 =	sshll.u32 s5, $0x1;
	s6 =	sadd.s32 s21, s4  }
0xa3: {  	[timem:s22], [sflag:s7] =	dma.local [hbm:s6], s5  }
0xa4: {  	_ =	swait.ge [sflag:s7], s5  }
0xa5: {  	s5 =	ssub.s32 $0x0, s5;
	[sflag:s7] =	ssyncset.done $0x0  }
0xa6: {  	[sflag:s7] =	ssyncadd.s32 s5;
	_ =	sdelay $0x1  }
0xa7: {  	s23 =	simm.s32 $0x1B8B  }
0xa8: {  	_ =	swait.ge [sflag:s23], $0x1  }
0xa9: {  	[sflag:s23] =	ssyncset.done $0x0  }
0xaa: {  	[sflag:s23] =	ssyncadd.s32 $0xFFFFFFFF  }
0xab: {  	s5 =	sld [smem:$0x0]  }
0xac: {  	s6 =	sand.u32 $0xFFFFFFFE, s1  }
0xad: {  	p0 =	sne.s32 s1, s6  }
0xae: {  	s6 =	sshll.u32 @p0 s6, $0xE  }
0xaf: {  	s6 =	sadd.s32 @p0 $0x11B8D, s6;
	s7 =	sshll.u32 @p0 s5, $0x11  }
0xb0: {  	s6 =	sor.u32 @p0 s7, s6  }
0xb1: {  	[sflag:s6] =	ssyncadd.remote.s32 @p0 $0x1;
	_ =	sdelay $0x1  }
0xb2: {  	s6 =	simm.s32 @p0 $0x1B8D  }
0xb3: {  	_ =	swait.eq @p0 [sflag:s6], $0x1  }
0xb4: {  	[sflag:s6] =	ssyncadd.s32 @p0 $0xFFFFFFFF  }
0xb5: {  	s7 =	sshll.u32 @!p0 s1, $0xE  }
0xb6: {  	s7 =	sor.u32 @!p0 $0x4000, s7;
	s6 =	simm.s32 @!p0 $0x1B8D  }
0xb7: {  	s5 =	sshll.u32 @!p0 s5, $0x11;
	s7 =	sadd.s32 @!p0 $0x11B8D, s7;
	_ =	swait.eq @!p0 [sflag:s6], $0x1  }
0xb8: {  	s5 =	sor.u32 @!p0 s5, s7;
	[sflag:s6] =	ssyncadd.s32 @!p0 $0xFFFFFFFF  }
0xb9: {  	s25 =	simm.s32 $0x1B8E;
	s24 =	sld [smem:$0x3FFE];
	[sflag:s5] =	ssyncadd.remote.s32 @!p0 $0x1  }
0xba: {  	s26 =	simm.s32 $execute0_lowered;
	[smem:$0x3FD2] =	sst s25  }
0xbb: {  	s6 =	sshll.u32 s26, $0x1;
	_ =	strace $0x80000049;
	[dreg:$0x1] =	wrdreg $0xFFFFFFFF  }
0xbc: {  	s28 =	simm.s32 $_size_execute0_lowered;
	s4 =	sadd.s32 s4, s6;
	[dreg:$0x0] =	wrdreg $0x0  }
0xbd: {  	s6 =	sshll.u32 s28, $0x1;
	[dreg:$0x2] =	wrdreg s4  }
0xbe: {  	[dreg:$0x3] =	wrdreg s6  }
0xbf: {  	[dreg:$0x4] =	wrdreg $0xC0  }
0xc0: {  	_ =	task [dreg:s22], $0x5FFFF  }
0xc1: {  	[dreg:$0x1] =	wrdreg $0xFFFFFFFF  }
0xc2: {  	[dreg:$0x0] =	wrdreg $0x60  }
0xc3: {  	[dreg:$0x2] =	wrdreg s24  }
0xc4: {  	[dreg:$0x3] =	wrdreg s17  }
0xc5: {  	[dreg:$0x4] =	wrdreg $0x9  }
0xc6: {  	_ =	task.clear_ibuf [dreg:s22], $0x5FFFF;
	_ =	strace $0x90000049  }
0xc7: {  	s29 =	simm.s32 $0x9;
	_ =	strace $0x8000004B  }
0xc8: {  	_ =	swait.ge [sflag:s29], $0x1  }
0xc9: {  	[sflag:s29] =	ssyncadd.s32 $0xFFFFFFFF  }
0xca: {  	_ =	strace $0x9000004B  }
0xcb: {  	_ =	sfence  }
0xcc: {  	s30 =	sld [smem:$0x0];
	_ =	sdelay $0x2  }
0xcd: {  	s31 =	sshll.u32 s1, $0xD;
	s1 =	sshrl.u32 s1, $0x2  }
0xce: {  	s4 =	sand.u32 $0x4000, s31;
	s1 =	sadd.s32 s1, s30  }
0xcf: {  	s0 =	sor.u32 s4, s0;
	s1 =	sshll.u32 s1, $0x11  }
0xd0: {  	s0 =	sor.u32 s1, s0  }
0xd1: {  	s0 =	sadd.s32 $0x8F2B, s0  }
0xd2: {  	[sflag:s0] =	ssyncadd.remote.s32 $0x1  }
0xd3: {  	_ =	sfence.sel $0xFFFF  }
0xd4: {  	[dreg:$0x0] =	wrdreg $0xFFFFFFFF;
	(pc) =	sbr.abs _section_cstart, $3  }
0xd5: {  	[dreg:$0x1] =	wrdreg $0xFFFFFFFF  }
0xd6: {  	_ =	task.clear_ibuf [dreg:s22], $0x2FFFF;
	_ =	strace $0x9FFFFFFF  }
0xd7: {  	(tm) =	ssettm $0x7FFFFFFF  }
tec
execute0_lowered:
.L_overlay_start_1:
0x0: {  	(tag) =	ssettag $0x1  }
0x1: {  	s1 =	srdreg.scid;
	s0 =	stileid.u32  }
0x2: {  	s1 =	sand.u32 $0x1, s1;
	s2 =	sshll.u32 s0, $0x1  }
0x3: {  	s26 =	sor.u32 s1, s2  }
0x4: {  	s5 =	rddreg [dreg:$0x0];
	s3 =	smul.u32 $0x28000, s26  }
0x5: {  	s31 =	rddreg [dreg:$0x1]  }
0x6: {  	[dreg:$0x4] =	wrdreg s1;
	s2 =	simm.s32 $0x0;
	s3 =	sshrl.u32 s3, $0x3  }
0x7: {  	[smem:$0x7FF] =	sst s2;
	s4 =	smul.u32 $0x140, s26;
	s3 =	sadd.s32 s31, s3  }
0x8: {  	s30 =	sadd.s32 $0x1A000, s5;
	_ =	strace $0x8000004A;
	s6 =	sadd.s32 $0x4000, s3  }
0x9: {  	s3 =	sadd.s32 s30, s4;
	s4 =	simm.s32 $0x3;
	[dreg:$0x3] =	wrdreg s6  }
0xa: {  	[tilespmem:s2], [sflag:$0x3] =	stream.linear.gather [hbm4b:s3+s2], $0x200, $0x38;
	[tilespmem:$0x10400] =	vst v63  }
0xb: {  	_ =	swait.ge [sflag:s4], $0x200  }
0xc: {  	s7 =	simm.s32 $0x400;
	[sflag:s4] =	ssyncset.done $0x0  }
0xd: {  	s5 =	sadd.s32 $0xF5C400, s5;
	s6 =	simm.s32 $0x80;
	[sflag:s4] =	ssyncadd.s32 $0xFFFFFE00  }
0xe: {  	[tilespmem:s7], [sflag:$0x1] =	stream.indirect.gather [hbm4b:s5+s6], $0x40, s2, s6, $0xb8;
	[tilespmem:$0x10400] =	vst v63  }
0xf: {  	s8 =	simm.s32 $0x2400;
	s9 =	smul.u32 $0xA00, s26  }
0x10: {  	[tilespmem:s8], [sflag:$0x1] =	stream.indirect.gather [hbm4b:s5+s6], $0x40, s6, s6, $0xb8;
	[tilespmem:$0x10400] =	vst v63  }
0x11: {  	s10 =	simm.s32 $0x4400;
	s28 =	sadd.s32 $0x200, s9;
	s9 =	simm.s32 $0x100  }
0x12: {  	[tilespmem:s10], [sflag:$0x1] =	stream.indirect.gather [hbm4b:s5+s6], $0x40, s9, s6, $0xb8;
	[tilespmem:$0x10400] =	vst v63  }
0x13: {  	s11 =	simm.s32 $0x180;
	s12 =	simm.s32 $0x6400;
	s13 =	sshrl.u32 s28, $0x3  }
0x14: {  	[tilespmem:s12], [sflag:$0x1] =	stream.indirect.gather [hbm4b:s5+s6], $0x40, s11, s6, $0xb8;
	[tilespmem:$0x10400] =	vst v63  }
0x15: {  	s14 =	simm.s32 $0x200;
	s13 =	sadd.s32 s30, s13  }
0x16: {  	[tilespmem:s14], [sflag:$0x3] =	stream.linear.gather [hbm4b:s13+s2], $0x200, $0x38;
	[tilespmem:$0x10400] =	vst v63  }
0x17: {  	_ =	swait.ge [sflag:s4], $0x200  }
0x18: {  	[sflag:s4] =	ssyncset.done $0x0  }
0x19: {  	s15 =	simm.s32 $0x8400;
	[sflag:s4] =	ssyncadd.s32 $0xFFFFFE00  }
0x1a: {  	[tilespmem:s15], [sflag:$0x2] =	stream.indirect.gather [hbm4b:s5+s6], $0x40, s14, s6, $0xb8;
	[tilespmem:$0x10400] =	vst v63  }
0x1b: {  	s16 =	simm.s32 $0x280;
	s17 =	simm.s32 $0xA400  }
0x1c: {  	[tilespmem:s17], [sflag:$0x2] =	stream.indirect.gather [hbm4b:s5+s6], $0x40, s16, s6, $0xb8;
	[tilespmem:$0x10400] =	vst v63  }
0x1d: {  	s18 =	simm.s32 $0x300;
	s19 =	simm.s32 $0xC400  }
0x1e: {  	[tilespmem:s19], [sflag:$0x2] =	stream.indirect.gather [hbm4b:s5+s6], $0x40, s18, s6, $0xb8;
	[tilespmem:$0x10400] =	vst v63  }
0x1f: {  	s20 =	simm.s32 $0x380;
	s21 =	simm.s32 $0xE400;
	s22 =	simm.s32 $0x1  }
0x20: {  	[tilespmem:s21], [sflag:$0x2] =	stream.indirect.gather [hbm4b:s5+s6], $0x40, s20, s6, $0xb8;
	[tilespmem:$0x10400] =	vst v63  }
0x21: {  	_ =	swait.ge [sflag:s22], $0x2000  }
0x22: {  	[sflag:s22] =	ssyncset.done $0x0  }
0x23: {  	[sflag:s22] =	ssyncadd.s32 $0xFFFFE000  }
0x24: {  	_ =	swait.ge [sflag:s22], $0x2000  }
0x25: {  	[sflag:s22] =	ssyncset.done $0x0  }
0x26: {  	[sflag:s22] =	ssyncadd.s32 $0xFFFFE000  }
0x27: {  	_ =	swait.ge [sflag:s22], $0x2000  }
0x28: {  	[sflag:s22] =	ssyncset.done $0x0  }
0x29: {  	[sflag:s22] =	ssyncadd.s32 $0xFFFFE000  }
0x2a: {  	s23 =	smul.u32 $0x5000, s26;
	_ =	swait.ge [sflag:s22], $0x2000  }
0x2b: {  	[sflag:s22] =	ssyncset.done $0x0  }
0x2c: {  	s23 =	sadd.s32 s31, s23;
	[sflag:s22] =	ssyncadd.s32 $0xFFFFE000  }
0x2d: {  	[hbm4b:s23+s2] =	stream.linear.scatter [tilespmem:s7], [sflag:$0x3], $0x8000, $0x38;
	[tilespmem:$0x10400] =	vst v63  }
0x2e: {  	_ =	swait.ge [sflag:s4], $0x8000  }
0x2f: {  	[sflag:s4] =	ssyncset.done $0x0  }
0x30: {  	s24 =	sadd.s32 $0x80, s3;
	[sflag:s4] =	ssyncadd.s32 $0xFFFF8000  }
0x31: {  	[tilespmem:s2], [sflag:$0x3] =	stream.linear.gather [hbm4b:s24+s2], $0x200, $0x38;
	[tilespmem:$0x10400] =	vst v63  }
0x32: {  	_ =	swait.ge [sflag:s4], $0x200  }
0x33: {  	[sflag:s4] =	ssyncset.done $0x0  }
0x34: {  	[sflag:s4] =	ssyncadd.s32 $0xFFFFFE00  }
0x35: {  	[tilespmem:s7], [sflag:$0x1] =	stream.indirect.gather [hbm4b:s5+s6], $0x40, s2, s6, $0xb8;
	[tilespmem:$0x10400] =	vst v63  }
0x36: {  	_ = 	snop  }
0x37: {  	[tilespmem:s8], [sflag:$0x1] =	stream.indirect.gather [hbm4b:s5+s6], $0x40, s6, s6, $0xb8;
	[tilespmem:$0x10400] =	vst v63  }
0x38: {  	_ = 	snop  }
0x39: {  	[tilespmem:s10], [sflag:$0x1] =	stream.indirect.gather [hbm4b:s5+s6], $0x40, s9, s6, $0xb8;
	[tilespmem:$0x10400] =	vst v63  }
0x3a: {  	s25 =	simm.s32 $0x2  }
0x3b: {  	[tilespmem:s12], [sflag:$0x1] =	stream.indirect.gather [hbm4b:s5+s6], $0x40, s11, s6, $0xb8;
	[tilespmem:$0x10400] =	vst v63  }
0x3c: {  	_ =	swait.ge [sflag:s25], $0x2000  }
0x3d: {  	[sflag:s25] =	ssyncset.done $0x0  }
0x3e: {  	[sflag:s25] =	ssyncadd.s32 $0xFFFFE000  }
0x3f: {  	_ =	swait.ge [sflag:s25], $0x2000  }
0x40: {  	[sflag:s25] =	ssyncset.done $0x0  }
0x41: {  	[sflag:s25] =	ssyncadd.s32 $0xFFFFE000  }
0x42: {  	_ =	swait.ge [sflag:s25], $0x2000  }
0x43: {  	[sflag:s25] =	ssyncset.done $0x0  }
0x44: {  	s29 =	smul.u32 $0x5, s26;
	[sflag:s25] =	ssyncadd.s32 $0xFFFFE000  }
0x45: {  	s0 =	sshll.u32 s28, $0x3;
	_ =	swait.ge [sflag:s25], $0x2000  }
0x46: {  	s26 =	sadd.s32 s31, s0;
	s0 =	sadd.s32 $0x2, s29;
	[sflag:s25] =	ssyncset.done $0x0  }
0x47: {  	s28 =	sshll.u32 s0, $0x9;
	[sflag:s25] =	ssyncadd.s32 $0xFFFFE000  }
0x48: {  	[hbm4b:s26+s2] =	stream.linear.scatter [tilespmem:s15], [sflag:$0x3], $0x8000, $0x38;
	[tilespmem:$0x10400] =	vst v63  }
0x49: {  	s1 =	sadd.s32 $0x200, s28;
	_ =	swait.ge [sflag:s4], $0x8000  }
0x4a: {  	s28 =	sshrl.u32 s1, $0x3;
	[sflag:s4] =	ssyncset.done $0x0  }
0x4b: {  	s28 =	sadd.s32 s30, s28;
	[sflag:s4] =	ssyncadd.s32 $0xFFFF8000  }
0x4c: {  	[tilespmem:s14], [sflag:$0x3] =	stream.linear.gather [hbm4b:s28+s2], $0x200, $0x38;
	[tilespmem:$0x10400] =	vst v63  }
0x4d: {  	_ =	swait.ge [sflag:s4], $0x200  }
0x4e: {  	[sflag:s4] =	ssyncset.done $0x0  }
0x4f: {  	[sflag:s4] =	ssyncadd.s32 $0xFFFFFE00  }
0x50: {  	[tilespmem:s15], [sflag:$0x2] =	stream.indirect.gather [hbm4b:s5+s6], $0x40, s14, s6, $0xb8;
	[tilespmem:$0x10400] =	vst v63  }
0x51: {  	_ = 	snop  }
0x52: {  	[tilespmem:s17], [sflag:$0x2] =	stream.indirect.gather [hbm4b:s5+s6], $0x40, s16, s6, $0xb8;
	[tilespmem:$0x10400] =	vst v63  }
0x53: {  	_ = 	snop  }
0x54: {  	[tilespmem:s19], [sflag:$0x2] =	stream.indirect.gather [hbm4b:s5+s6], $0x40, s18, s6, $0xb8;
	[tilespmem:$0x10400] =	vst v63  }
0x55: {  	_ = 	snop  }
0x56: {  	[tilespmem:s21], [sflag:$0x2] =	stream.indirect.gather [hbm4b:s5+s6], $0x40, s20, s6, $0xb8;
	[tilespmem:$0x10400] =	vst v63  }
0x57: {  	_ =	swait.ge [sflag:s22], $0x2000  }
0x58: {  	[sflag:s22] =	ssyncset.done $0x0  }
0x59: {  	[sflag:s22] =	ssyncadd.s32 $0xFFFFE000  }
0x5a: {  	_ =	swait.ge [sflag:s22], $0x2000  }
0x5b: {  	[sflag:s22] =	ssyncset.done $0x0  }
0x5c: {  	[sflag:s22] =	ssyncadd.s32 $0xFFFFE000  }
0x5d: {  	_ =	swait.ge [sflag:s22], $0x2000  }
0x5e: {  	[sflag:s22] =	ssyncset.done $0x0  }
0x5f: {  	[sflag:s22] =	ssyncadd.s32 $0xFFFFE000  }
0x60: {  	_ =	swait.ge [sflag:s22], $0x2000  }
0x61: {  	s29 =	sshll.u32 s0, $0xC;
	[sflag:s22] =	ssyncset.done $0x0  }
0x62: {  	s29 =	sadd.s32 s31, s29;
	[sflag:s22] =	ssyncadd.s32 $0xFFFFE000  }
0x63: {  	[hbm4b:s29+s2] =	stream.linear.scatter [tilespmem:s7], [sflag:$0x3], $0x8000, $0x38;
	[tilespmem:$0x10400] =	vst v63  }
0x64: {  	s0 =	sshll.u32 s0, $0x6;
	_ =	swait.ge [sflag:s4], $0x8000  }
0x65: {  	s0 =	sadd.s32 s30, s0;
	[sflag:s4] =	ssyncset.done $0x0  }
0x66: {  	s30 =	sadd.s32 $0x80, s0;
	[sflag:s4] =	ssyncadd.s32 $0xFFFF8000  }
0x67: {  	[tilespmem:s2], [sflag:$0x3] =	stream.linear.gather [hbm4b:s30+s2], $0x200, $0x38;
	[tilespmem:$0x10400] =	vst v63  }
0x68: {  	_ =	swait.ge [sflag:s4], $0x200  }
0x69: {  	[sflag:s4] =	ssyncset.done $0x0  }
0x6a: {  	[sflag:s4] =	ssyncadd.s32 $0xFFFFFE00  }
0x6b: {  	[tilespmem:s7], [sflag:$0x1] =	stream.indirect.gather [hbm4b:s5+s6], $0x40, s2, s6, $0xb8;
	[tilespmem:$0x10400] =	vst v63  }
0x6c: {  	_ = 	snop  }
0x6d: {  	[tilespmem:s8], [sflag:$0x1] =	stream.indirect.gather [hbm4b:s5+s6], $0x40, s6, s6, $0xb8;
	[tilespmem:$0x10400] =	vst v63  }
0x6e: {  	_ = 	snop  }
0x6f: {  	[tilespmem:s10], [sflag:$0x1] =	stream.indirect.gather [hbm4b:s5+s6], $0x40, s9, s6, $0xb8;
	[tilespmem:$0x10400] =	vst v63  }
0x70: {  	_ = 	snop  }
0x71: {  	[tilespmem:s12], [sflag:$0x1] =	stream.indirect.gather [hbm4b:s5+s6], $0x40, s11, s6, $0xb8;
	[tilespmem:$0x10400] =	vst v63  }
0x72: {  	_ =	swait.ge [sflag:s25], $0x2000  }
0x73: {  	[sflag:s25] =	ssyncset.done $0x0  }
0x74: {  	[sflag:s25] =	ssyncadd.s32 $0xFFFFE000  }
0x75: {  	_ =	swait.ge [sflag:s25], $0x2000  }
0x76: {  	[sflag:s25] =	ssyncset.done $0x0  }
0x77: {  	[sflag:s25] =	ssyncadd.s32 $0xFFFFE000  }
0x78: {  	_ =	swait.ge [sflag:s25], $0x2000  }
0x79: {  	[sflag:s25] =	ssyncset.done $0x0  }
0x7a: {  	[sflag:s25] =	ssyncadd.s32 $0xFFFFE000  }
0x7b: {  	s1 =	sshll.u32 s1, $0x3;
	_ =	swait.ge [sflag:s25], $0x2000  }
0x7c: {  	s0 =	sand.u32 $0x1FFFF000, s1;
	[sflag:s25] =	ssyncset.done $0x0  }
0x7d: {  	s31 =	sadd.s32 s31, s0;
	[sflag:s25] =	ssyncadd.s32 $0xFFFFE000  }
0x7e: {  	[hbm4b:s31+s2] =	stream.linear.scatter [tilespmem:s15], [sflag:$0x3], $0x8000, $0x38;
	[tilespmem:$0x10400] =	vst v63  }
0x7f: {  	_ =	swait.ge [sflag:s4], $0x8000  }
0x80: {  	[sflag:s4] =	ssyncset.done $0x0  }
0x81: {  	[sflag:s4] =	ssyncadd.s32 $0xFFFF8000  }
0x82: {  	_ =	swait.ge [sflag:s22], $0x2000  }
0x83: {  	[sflag:s22] =	ssyncset.done $0x0  }
0x84: {  	[sflag:s22] =	ssyncadd.s32 $0xFFFFE000  }
0x85: {  	_ =	swait.ge [sflag:s22], $0x2000  }
0x86: {  	[sflag:s22] =	ssyncset.done $0x0  }
0x87: {  	[sflag:s22] =	ssyncadd.s32 $0xFFFFE000  }
0x88: {  	_ =	swait.ge [sflag:s22], $0x2000  }
0x89: {  	[sflag:s22] =	ssyncset.done $0x0  }
0x8a: {  	[sflag:s22] =	ssyncadd.s32 $0xFFFFE000  }
0x8b: {  	_ =	swait.ge [sflag:s22], $0x2000  }
0x8c: {  	s1 =	rddreg [dreg:$0x4]  }
0x8d: {  	s0 =	ssub.s32 $0x2, s1;
	s1 =	rddreg [dreg:$0x3]  }
0x8e: {  	[dreg:$0x5] =	wrdreg s1;
	s1 =	sshrl.u32 s0, $0x1  }
0x8f: {  	s0 =	ssub.s32 s0, s1  }
0x90: {  	s0 =	smax.u32 s0, $0x1  }
0x91: {  	p0 =	sne.s32 s0, $0x1  }
.Ltmp0:
0x92: {  	[sflag:s22] =	ssyncset.done $0x0;
	(pc) =	sbr.rel @!p0 .LBB2_2-.Ltmp0, $4  }
0x93: {  	[sflag:s22] =	ssyncadd.s32 $0xFFFFE000;
	s1 =	rddreg [dreg:$0x5]  }
0x94: {  	[hbm4b:s1+s2] =	stream.linear.scatter [tilespmem:s7], [sflag:$0x3], $0x8000, $0x38;
	[tilespmem:$0x10400] =	vst v63  }
0x95: {  	_ =	swait.ge [sflag:s4], $0x8000  }
0x96: {  	s1 =	sadd.s32 $0xFFFFFFFF, s0;
	[sflag:s4] =	ssyncset.done $0x0  }
.LBB2_1:
0x97: {  	[sflag:s4] =	ssyncadd.s32 $0xFFFF8000  }
0x98: {  	[tilespmem:s2], [sflag:$0x3] =	stream.linear.gather [hbm4b:s3+s2], $0x200, $0x38;
	[tilespmem:$0x10400] =	vst v63  }
0x99: {  	_ =	swait.ge [sflag:s4], $0x200  }
0x9a: {  	[sflag:s4] =	ssyncset.done $0x0  }
0x9b: {  	[sflag:s4] =	ssyncadd.s32 $0xFFFFFE00  }
0x9c: {  	[tilespmem:s7], [sflag:$0x1] =	stream.indirect.gather [hbm4b:s5+s6], $0x40, s2, s6, $0xb8;
	[tilespmem:$0x10400] =	vst v63  }
0x9d: {  	_ = 	snop  }
0x9e: {  	[tilespmem:s8], [sflag:$0x1] =	stream.indirect.gather [hbm4b:s5+s6], $0x40, s6, s6, $0xb8;
	[tilespmem:$0x10400] =	vst v63  }
0x9f: {  	_ = 	snop  }
0xa0: {  	[tilespmem:s10], [sflag:$0x1] =	stream.indirect.gather [hbm4b:s5+s6], $0x40, s9, s6, $0xb8;
	[tilespmem:$0x10400] =	vst v63  }
0xa1: {  	_ = 	snop  }
0xa2: {  	[tilespmem:s12], [sflag:$0x1] =	stream.indirect.gather [hbm4b:s5+s6], $0x40, s11, s6, $0xb8;
	[tilespmem:$0x10400] =	vst v63  }
0xa3: {  	_ = 	snop  }
0xa4: {  	[tilespmem:s14], [sflag:$0x3] =	stream.linear.gather [hbm4b:s13+s2], $0x200, $0x38;
	[tilespmem:$0x10400] =	vst v63  }
0xa5: {  	_ =	swait.ge [sflag:s4], $0x200  }
0xa6: {  	[sflag:s4] =	ssyncset.done $0x0  }
0xa7: {  	[sflag:s4] =	ssyncadd.s32 $0xFFFFFE00  }
0xa8: {  	[tilespmem:s15], [sflag:$0x2] =	stream.indirect.gather [hbm4b:s5+s6], $0x40, s14, s6, $0xb8;
	[tilespmem:$0x10400] =	vst v63  }
0xa9: {  	_ = 	snop  }
0xaa: {  	[tilespmem:s17], [sflag:$0x2] =	stream.indirect.gather [hbm4b:s5+s6], $0x40, s16, s6, $0xb8;
	[tilespmem:$0x10400] =	vst v63  }
0xab: {  	_ = 	snop  }
0xac: {  	[tilespmem:s19], [sflag:$0x2] =	stream.indirect.gather [hbm4b:s5+s6], $0x40, s18, s6, $0xb8;
	[tilespmem:$0x10400] =	vst v63  }
0xad: {  	_ = 	snop  }
0xae: {  	[tilespmem:s21], [sflag:$0x2] =	stream.indirect.gather [hbm4b:s5+s6], $0x40, s20, s6, $0xb8;
	[tilespmem:$0x10400] =	vst v63  }
0xaf: {  	_ =	swait.ge [sflag:s22], $0x2000  }
0xb0: {  	[sflag:s22] =	ssyncset.done $0x0  }
0xb1: {  	[sflag:s22] =	ssyncadd.s32 $0xFFFFE000  }
0xb2: {  	_ =	swait.ge [sflag:s22], $0x2000  }
0xb3: {  	[sflag:s22] =	ssyncset.done $0x0  }
0xb4: {  	[sflag:s22] =	ssyncadd.s32 $0xFFFFE000  }
0xb5: {  	_ =	swait.ge [sflag:s22], $0x2000  }
0xb6: {  	[sflag:s22] =	ssyncset.done $0x0  }
0xb7: {  	[sflag:s22] =	ssyncadd.s32 $0xFFFFE000  }
0xb8: {  	_ =	swait.ge [sflag:s22], $0x2000  }
0xb9: {  	[sflag:s22] =	ssyncset.done $0x0  }
0xba: {  	[sflag:s22] =	ssyncadd.s32 $0xFFFFE000  }
0xbb: {  	[hbm4b:s23+s2] =	stream.linear.scatter [tilespmem:s7], [sflag:$0x3], $0x8000, $0x38;
	[tilespmem:$0x10400] =	vst v63  }
0xbc: {  	_ =	swait.ge [sflag:s4], $0x8000  }
0xbd: {  	[sflag:s4] =	ssyncset.done $0x0  }
0xbe: {  	[sflag:s4] =	ssyncadd.s32 $0xFFFF8000  }
0xbf: {  	[tilespmem:s2], [sflag:$0x3] =	stream.linear.gather [hbm4b:s24+s2], $0x200, $0x38;
	[tilespmem:$0x10400] =	vst v63  }
0xc0: {  	_ =	swait.ge [sflag:s4], $0x200  }
0xc1: {  	[sflag:s4] =	ssyncset.done $0x0  }
0xc2: {  	[sflag:s4] =	ssyncadd.s32 $0xFFFFFE00  }
0xc3: {  	[tilespmem:s7], [sflag:$0x1] =	stream.indirect.gather [hbm4b:s5+s6], $0x40, s2, s6, $0xb8;
	[tilespmem:$0x10400] =	vst v63  }
0xc4: {  	_ = 	snop  }
0xc5: {  	[tilespmem:s8], [sflag:$0x1] =	stream.indirect.gather [hbm4b:s5+s6], $0x40, s6, s6, $0xb8;
	[tilespmem:$0x10400] =	vst v63  }
0xc6: {  	_ = 	snop  }
0xc7: {  	[tilespmem:s10], [sflag:$0x1] =	stream.indirect.gather [hbm4b:s5+s6], $0x40, s9, s6, $0xb8;
	[tilespmem:$0x10400] =	vst v63  }
0xc8: {  	_ = 	snop  }
0xc9: {  	[tilespmem:s12], [sflag:$0x1] =	stream.indirect.gather [hbm4b:s5+s6], $0x40, s11, s6, $0xb8;
	[tilespmem:$0x10400] =	vst v63  }
0xca: {  	_ =	swait.ge [sflag:s25], $0x2000  }
0xcb: {  	[sflag:s25] =	ssyncset.done $0x0  }
0xcc: {  	[sflag:s25] =	ssyncadd.s32 $0xFFFFE000  }
0xcd: {  	_ =	swait.ge [sflag:s25], $0x2000  }
0xce: {  	[sflag:s25] =	ssyncset.done $0x0  }
0xcf: {  	[sflag:s25] =	ssyncadd.s32 $0xFFFFE000  }
0xd0: {  	_ =	swait.ge [sflag:s25], $0x2000  }
0xd1: {  	[sflag:s25] =	ssyncset.done $0x0  }
0xd2: {  	[sflag:s25] =	ssyncadd.s32 $0xFFFFE000  }
0xd3: {  	_ =	swait.ge [sflag:s25], $0x2000  }
0xd4: {  	[sflag:s25] =	ssyncset.done $0x0  }
0xd5: {  	[sflag:s25] =	ssyncadd.s32 $0xFFFFE000  }
0xd6: {  	[hbm4b:s26+s2] =	stream.linear.scatter [tilespmem:s15], [sflag:$0x3], $0x8000, $0x38;
	[tilespmem:$0x10400] =	vst v63  }
0xd7: {  	_ =	swait.ge [sflag:s4], $0x8000  }
0xd8: {  	[sflag:s4] =	ssyncset.done $0x0  }
0xd9: {  	[sflag:s4] =	ssyncadd.s32 $0xFFFF8000  }
0xda: {  	[tilespmem:s14], [sflag:$0x3] =	stream.linear.gather [hbm4b:s28+s2], $0x200, $0x38;
	[tilespmem:$0x10400] =	vst v63  }
0xdb: {  	_ =	swait.ge [sflag:s4], $0x200  }
0xdc: {  	[sflag:s4] =	ssyncset.done $0x0  }
0xdd: {  	[sflag:s4] =	ssyncadd.s32 $0xFFFFFE00  }
0xde: {  	[tilespmem:s15], [sflag:$0x2] =	stream.indirect.gather [hbm4b:s5+s6], $0x40, s14, s6, $0xb8;
	[tilespmem:$0x10400] =	vst v63  }
0xdf: {  	_ = 	snop  }
0xe0: {  	[tilespmem:s17], [sflag:$0x2] =	stream.indirect.gather [hbm4b:s5+s6], $0x40, s16, s6, $0xb8;
	[tilespmem:$0x10400] =	vst v63  }
0xe1: {  	_ = 	snop  }
0xe2: {  	[tilespmem:s19], [sflag:$0x2] =	stream.indirect.gather [hbm4b:s5+s6], $0x40, s18, s6, $0xb8;
	[tilespmem:$0x10400] =	vst v63  }
0xe3: {  	_ = 	snop  }
0xe4: {  	[tilespmem:s21], [sflag:$0x2] =	stream.indirect.gather [hbm4b:s5+s6], $0x40, s20, s6, $0xb8;
	[tilespmem:$0x10400] =	vst v63  }
0xe5: {  	_ =	swait.ge [sflag:s22], $0x2000  }
0xe6: {  	[sflag:s22] =	ssyncset.done $0x0  }
0xe7: {  	[sflag:s22] =	ssyncadd.s32 $0xFFFFE000  }
0xe8: {  	_ =	swait.ge [sflag:s22], $0x2000  }
0xe9: {  	[sflag:s22] =	ssyncset.done $0x0  }
0xea: {  	[sflag:s22] =	ssyncadd.s32 $0xFFFFE000  }
0xeb: {  	_ =	swait.ge [sflag:s22], $0x2000  }
0xec: {  	[sflag:s22] =	ssyncset.done $0x0  }
0xed: {  	[sflag:s22] =	ssyncadd.s32 $0xFFFFE000  }
0xee: {  	_ =	swait.ge [sflag:s22], $0x2000  }
0xef: {  	[sflag:s22] =	ssyncset.done $0x0  }
0xf0: {  	[sflag:s22] =	ssyncadd.s32 $0xFFFFE000  }
0xf1: {  	[hbm4b:s29+s2] =	stream.linear.scatter [tilespmem:s7], [sflag:$0x3], $0x8000, $0x38;
	[tilespmem:$0x10400] =	vst v63  }
0xf2: {  	_ =	swait.ge [sflag:s4], $0x8000  }
0xf3: {  	[sflag:s4] =	ssyncset.done $0x0  }
0xf4: {  	[sflag:s4] =	ssyncadd.s32 $0xFFFF8000  }
0xf5: {  	[tilespmem:s2], [sflag:$0x3] =	stream.linear.gather [hbm4b:s30+s2], $0x200, $0x38;
	[tilespmem:$0x10400] =	vst v63  }
0xf6: {  	_ =	swait.ge [sflag:s4], $0x200  }
0xf7: {  	[sflag:s4] =	ssyncset.done $0x0  }
0xf8: {  	[sflag:s4] =	ssyncadd.s32 $0xFFFFFE00  }
0xf9: {  	[tilespmem:s7], [sflag:$0x1] =	stream.indirect.gather [hbm4b:s5+s6], $0x40, s2, s6, $0xb8;
	[tilespmem:$0x10400] =	vst v63  }
0xfa: {  	_ = 	snop  }
0xfb: {  	[tilespmem:s8], [sflag:$0x1] =	stream.indirect.gather [hbm4b:s5+s6], $0x40, s6, s6, $0xb8;
	[tilespmem:$0x10400] =	vst v63  }
0xfc: {  	_ = 	snop  }
0xfd: {  	[tilespmem:s10], [sflag:$0x1] =	stream.indirect.gather [hbm4b:s5+s6], $0x40, s9, s6, $0xb8;
	[tilespmem:$0x10400] =	vst v63  }
0xfe: {  	_ = 	snop  }
0xff: {  	[tilespmem:s12], [sflag:$0x1] =	stream.indirect.gather [hbm4b:s5+s6], $0x40, s11, s6, $0xb8;
	[tilespmem:$0x10400] =	vst v63  }
0x100: {  	_ =	swait.ge [sflag:s25], $0x2000  }
0x101: {  	[sflag:s25] =	ssyncset.done $0x0  }
0x102: {  	[sflag:s25] =	ssyncadd.s32 $0xFFFFE000  }
0x103: {  	_ =	swait.ge [sflag:s25], $0x2000  }
0x104: {  	[sflag:s25] =	ssyncset.done $0x0  }
0x105: {  	[sflag:s25] =	ssyncadd.s32 $0xFFFFE000  }
0x106: {  	_ =	swait.ge [sflag:s25], $0x2000  }
0x107: {  	[sflag:s25] =	ssyncset.done $0x0  }
0x108: {  	[sflag:s25] =	ssyncadd.s32 $0xFFFFE000  }
0x109: {  	_ =	swait.ge [sflag:s25], $0x2000  }
0x10a: {  	[sflag:s25] =	ssyncset.done $0x0  }
0x10b: {  	[sflag:s25] =	ssyncadd.s32 $0xFFFFE000  }
0x10c: {  	[hbm4b:s31+s2] =	stream.linear.scatter [tilespmem:s15], [sflag:$0x3], $0x8000, $0x38;
	[tilespmem:$0x10400] =	vst v63  }
0x10d: {  	_ =	swait.ge [sflag:s4], $0x8000  }
0x10e: {  	[sflag:s4] =	ssyncset.done $0x0  }
0x10f: {  	[sflag:s4] =	ssyncadd.s32 $0xFFFF8000  }
0x110: {  	_ =	swait.ge [sflag:s22], $0x2000  }
0x111: {  	[sflag:s22] =	ssyncset.done $0x0  }
0x112: {  	[sflag:s22] =	ssyncadd.s32 $0xFFFFE000  }
0x113: {  	_ =	swait.ge [sflag:s22], $0x2000  }
0x114: {  	[sflag:s22] =	ssyncset.done $0x0  }
0x115: {  	[sflag:s22] =	ssyncadd.s32 $0xFFFFE000  }
0x116: {  	_ =	swait.ge [sflag:s22], $0x2000  }
0x117: {  	[sflag:s22] =	ssyncset.done $0x0  }
0x118: {  	[sflag:s22] =	ssyncadd.s32 $0xFFFFE000  }
0x119: {  	p0 =	sne.s32 s1, $0x1;
	_ =	swait.ge [sflag:s22], $0x2000  }
.Ltmp1:
0x11a: {  	[sflag:s22] =	ssyncset.done $0x0;
	(pc) =	sbr.rel @p0 .LBB2_1-.Ltmp1, $4  }
0x11b: {  	s0 =	rddreg [dreg:$0x3];
	[sflag:s22] =	ssyncadd.s32 $0xFFFFE000  }
0x11c: {  	[hbm4b:s0+s2] =	stream.linear.scatter [tilespmem:s7], [sflag:$0x3], $0x8000, $0x38;
	[tilespmem:$0x10400] =	vst v63  }
0x11d: {  	_ =	swait.ge [sflag:s4], $0x8000  }
0x11e: {  	s1 =	sadd.s32 $0xFFFFFFFF, s1;
	[sflag:s4] =	ssyncset.done $0x0  }
.LBB2_2:
0x11f: {  	[sflag:s4] =	ssyncadd.s32 $0xFFFF8000  }
0x120: {  	_ =	sfence.sel $0x180000  }
0x121: {  	[bflag:$0x0] =	sbarrier.arrive $0xFFFF  }
0x122: {  	_ =	strace $0x9000004A  }
0x123: {  	s0 =	stileid.u32;
	[bflag:$0x2] =	sbarrier.arrive $0xFFFF  }
0x124: {  	p0 =	sne.s32 s0, $0x0;
	s0 =	rddreg [dreg:$0x2]  }
0x125: {  	s0 =	sadd.s32 @!p0 $0x100000, s0  }
0x126: {  	[sflag:s0] =	ssyncadd.tile.s32 @!p0 $0x1;
	_ =	shalt  }
.Lfunc_end2:
_tile_overlayer_lowered:
.L_overlay_start_2:
0x127: {  	(tag) =	ssettag $0x2  }
0x128: {  	s0 =	rddreg [dreg:$0x0];
	s2 =	stileid.u32  }
0x129: {  	s1 =	rddreg [dreg:$0x1];
	p0 =	sne.s32 s2, $0x0  }
0x12a: {  	s3 =	rddreg [dreg:$0x2];
	[bflag:$0x3] =	sbarrier.arrive $0xFFFF;
	s2 =	simm.s32 @!p0 $0x1C03  }
0x12b: {  	[timem:s3], [sflag:s2] =	dma.local @!p0 [hbm:s0], s1  }
0x12c: {  	s0 =	simm.s32 @!p0 $0x3  }
0x12d: {  	_ =	swait.ge @!p0 [sflag:s0], s1  }
0x12e: {  	s1 =	ssub.s32 @!p0 $0x0, s1;
	[sflag:s0] =	ssyncset.done @!p0 $0x0  }
0x12f: {  	[sflag:s0] =	ssyncadd.s32 @!p0 s1  }
0x130: {  	[bflag:$0x3] =	sbarrier.arrive $0xFFFF  }
0x131: {  	_ =	shalt  }

// kernel: sparse-core-data-format-call.cloned.1.call-start
scs
called_computation_lowered:
.L_overlay_start_0:
0x0: {  	s2 =	sld [smem:$0x3FD9]  }
0x1: {  	s3 =	sld [smem:$0x3FFE];
	_ =	sdelay $0x1  }
0x2: {  	s1 =	srdreg.scid  }
0x3: {  	s0 =	sand.u32 $0x1, s1  }
0x4: {  	s18 =	sshll.u32 s0, $0xA;
	s2 =	sadd.s32 s3, s2  }
0x5: {  	s2 =	sadd.s32 s2, s18  }
0x6: {  	[smem:$0x3FC4] =	sst s2  }
0x7: {  	_ = 	snop  }
0x8: {  	(tm) =	ssettm $0x1  }
0x9: {  	s19 =	sld [smem:$0x3FFB];
	_ =	sdelay $0x3  }
0xa: {  	_ =	strace s19  }
0xb: {  	s2 =	sld [smem:$0x3FFC];
	_ =	sdelay $0x3  }
0xc: {  	_ =	strace s2  }
0xd: {  	s2 =	sld [smem:$0x3FFD];
	_ =	sdelay $0x3  }
0xe: {  	_ =	strace s2  }
0xf: {  	_ =	strace $0x8FFFFFFF  }
0x10: {  	s20 =	sld [smem:$0x3FDB];
	_ =	sdelay $0x1  }
0x11: {  	s21 =	simm.s32 $_scs_section_size  }
0x12: {  	s4 =	simm.s32 $_size__tile_overlayer_lowered;
	s5 =	simm.s32 $_tile_overlayer_lowered  }
0x13: {  	s6 =	simm.s32 $0x1BFF;
	s22 =	sshll.u32 s5, $0x1;
	s3 =	sadd.s32 s21, s20  }
0x14: {  	s23 =	simm.s32 $0x0;
	s4 =	sshll.u32 s4, $0x1;
	s5 =	sadd.s32 s22, s3  }
0x15: {  	[timem:s23], [sflag:s6] =	dma.local [hbm:s5], s4  }
0x16: {  	_ =	swait.ge [sflag:s6], s4  }
0x17: {  	s4 =	ssub.s32 $0x0, s4;
	[sflag:s6] =	ssyncset.done $0x0  }
0x18: {  	[sflag:s6] =	ssyncadd.s32 s4;
	_ =	sdelay $0x1  }
0x19: {  	s24 =	simm.s32 $0x1B8B  }
0x1a: {  	_ =	swait.ge [sflag:s24], $0x1  }
0x1b: {  	[sflag:s24] =	ssyncset.done $0x0  }
0x1c: {  	[sflag:s24] =	ssyncadd.s32 $0xFFFFFFFF  }
0x1d: {  	s4 =	sld [smem:$0x0]  }
0x1e: {  	s5 =	sand.u32 $0xFFFFFFFE, s1  }
0x1f: {  	p0 =	sne.s32 s1, s5  }
0x20: {  	s5 =	sshll.u32 @p0 s5, $0xE  }
0x21: {  	s5 =	sadd.s32 @p0 $0x11B8D, s5;
	s6 =	sshll.u32 @p0 s4, $0x11  }
0x22: {  	s5 =	sor.u32 @p0 s6, s5  }
0x23: {  	[sflag:s5] =	ssyncadd.remote.s32 @p0 $0x1;
	_ =	sdelay $0x1  }
0x24: {  	s5 =	simm.s32 @p0 $0x1B8D  }
0x25: {  	_ =	swait.eq @p0 [sflag:s5], $0x1  }
0x26: {  	[sflag:s5] =	ssyncadd.s32 @p0 $0xFFFFFFFF  }
0x27: {  	s6 =	sshll.u32 @!p0 s1, $0xE  }
0x28: {  	s6 =	sor.u32 @!p0 $0x4000, s6;
	s5 =	simm.s32 @!p0 $0x1B8D  }
0x29: {  	s4 =	sshll.u32 @!p0 s4, $0x11;
	s6 =	sadd.s32 @!p0 $0x11B8D, s6;
	_ =	swait.eq @!p0 [sflag:s5], $0x1  }
0x2a: {  	s4 =	sor.u32 @!p0 s4, s6;
	[sflag:s5] =	ssyncadd.s32 @!p0 $0xFFFFFFFF  }
0x2b: {  	s26 =	simm.s32 $0x1B8E;
	s25 =	sld [smem:$0x3FFE];
	[sflag:s4] =	ssyncadd.remote.s32 @!p0 $0x1  }
0x2c: {  	s27 =	simm.s32 $execute0_lowered;
	[smem:$0x3FD2] =	sst s26  }
0x2d: {  	s5 =	sshll.u32 s27, $0x1;
	_ =	strace $0x8000004C;
	[dreg:$0x1] =	wrdreg $0xFFFFFFFF  }
0x2e: {  	s28 =	simm.s32 $_size_execute0_lowered;
	s3 =	sadd.s32 s3, s5;
	[dreg:$0x0] =	wrdreg $0x0  }
0x2f: {  	s5 =	sshll.u32 s28, $0x1;
	[dreg:$0x2] =	wrdreg s3  }
0x30: {  	[dreg:$0x3] =	wrdreg s5  }
0x31: {  	[dreg:$0x4] =	wrdreg $0xC0  }
0x32: {  	_ =	task [dreg:s23], $0x5FFFF  }
0x33: {  	[dreg:$0x1] =	wrdreg $0xFFFFFFFF  }
0x34: {  	[dreg:$0x0] =	wrdreg $0x60  }
0x35: {  	[dreg:$0x2] =	wrdreg s25  }
0x36: {  	[dreg:$0x3] =	wrdreg $0xA  }
0x37: {  	_ =	task.clear_ibuf [dreg:s23], $0x4FFFF;
	_ =	strace $0x9000004C  }
0x38: {  	s29 =	simm.s32 $0xA;
	_ =	strace $0x8000004E  }
0x39: {  	_ =	swait.ge [sflag:s29], $0x1  }
0x3a: {  	[sflag:s29] =	ssyncadd.s32 $0xFFFFFFFF  }
0x3b: {  	_ =	strace $0x9000004E  }
0x3c: {  	_ =	sfence  }
0x3d: {  	s30 =	sld [smem:$0x0];
	_ =	sdelay $0x2  }
0x3e: {  	s31 =	sshll.u32 s1, $0xD;
	s1 =	sshrl.u32 s1, $0x2  }
0x3f: {  	s4 =	sand.u32 $0x4000, s31;
	s1 =	sadd.s32 s1, s30  }
0x40: {  	s0 =	sor.u32 s4, s0;
	s1 =	sshll.u32 s1, $0x11  }
0x41: {  	s0 =	sor.u32 s1, s0  }
0x42: {  	s0 =	sadd.s32 $0x8F2B, s0  }
0x43: {  	[sflag:s0] =	ssyncadd.remote.s32 $0x1  }
0x44: {  	_ =	sfence.sel $0xFFFF  }
0x45: {  	[dreg:$0x0] =	wrdreg $0xFFFFFFFF;
	(pc) =	sbr.abs _section_cstart, $3  }
0x46: {  	[dreg:$0x1] =	wrdreg $0xFFFFFFFF  }
0x47: {  	_ =	task.clear_ibuf [dreg:s23], $0x2FFFF;
	_ =	strace $0x9FFFFFFF  }
0x48: {  	(tm) =	ssettm $0x7FFFFFFF  }
0x49: {  	_ =	shalt  }
tec
execute0_lowered:
.L_overlay_start_1:
0x0: {  	(tag) =	ssettag $0x1  }
0x1: {  	s0 =	srdreg.scid  }
0x2: {  	s1 =	sshll.u32 s0, $0x4  }
0x3: {  	s0 =	stileid.u32;
	s1 =	sand.u32 $0x10, s1  }
0x4: {  	s1 =	sor.u32 s0, s1  }
0x5: {  	s6 =	rddreg [dreg:$0x0];
	s7 =	simm.s32 $0x2;
	s2 =	sshll.u32 s1, $0x7  }
0x6: {  	s13 =	simm.s32 $0x0;
	s8 =	simm.s32 $0xC8000;
	s1 =	ssub.s32 $0x1000, s2  }
0x7: {  	s12 =	simm.s32 $0x0;
	s9 =	simm.s32 $0x0;
	s3 =	sand.u32 $0xF80, s1  }
0x8: {  	s11 =	simm.s32 $0x0;
	p0 =	sne.s32 s3, $0x0;
	s3 =	simm.s32 $0x1  }
.Ltmp0:
0x9: {  	s4 =	sshrl.u32 s1, $0xC;
	s3 =	simm.s32 @!p0 $0x0;
	(pc) =	sbr.rel .LBB1_1-.Ltmp0, $4  }
0xa: {  	s5 =	sadd.s32 $0x1C800, s6;
	s1 =	rddreg [dreg:$0x1];
	s4 =	sadd.s32 s3, s4  }
0xb: {  	_ =	strace $0x8000004D;
	s3 =	simm.s32 $0x1;
	s4 =	smul.u32 $0xC8, s4  }
0xc: {  	s6 =	sadd.s32 $0x16FD600, s6;
	s10 =	smov.u32 s2;
	[sflag:s3] =	ssyncpa.u1 $0x0  }
0xd: {  	p0 =	por $0x0, $0x0;
	[sflag:s7] =	ssyncpa.u1 $0x0;
	s7 =	sor.u32 $0x1, s4  }
.LBB1_4:
0xe: {  	s16 =	sshll.u32 s13, $0xC;
	s17 =	sshll.u32 s12, $0x3  }
0xf: {  	s16 =	sand.u32 $0xFFFF8000, s16;
	s18 =	sand.u32 $0xFFFFFC00, s17  }
0x10: {  	s16 =	sadd.s32 s18, s16  }
0x11: {  	s16 =	sshrl.u32 s16, $0xC  }
0x12: {  	s29 =	smulhi.u32 $0x147AE15, s16  }
0x13: {  	s19 =	sand.u32 $0x78, s12;
	s30 =	sshll.u32 s13, $0x7;
	s17 =	sand.u32 $0xC00, s17  }
0x14: {  	s13 =	sand.u32 $0x380, s30;
	s17 =	sor.u32 s19, s17;
	s18 =	smul.u32 $0xC8, s29  }
0x15: {  	s13 =	sor.u32 s13, s17  }
0x16: {  	[tilespmem:s15+$0x810 ss:$0x81] =	vst.msk $0xffff, v2;
	s31 =	sand.u32 $0x7, s12;
	s13 =	sshrl.u32 s13, $0x3;
	s16 =	ssub.s32 s16, s18  }
0x17: {  	[tilespmem:s15+$0x1020 ss:$0x81] =	vst.msk $0xffff, v0;
	s12 =	sshll.u32 s31, $0x12;
	s13 =	sadd.s32 s6, s13;
	s16 =	sshll.u32 s16, $0x9  }
0x18: {  	[tilespmem:s15+$0x0 ss:$0x81] =	vst.msk $0xffff, v1;
	s12 =	sor.u32 $0x80, s12;
	s13 =	sadd.s32 s16, s13  }
0x19: {  	[hbm4b:s13+s12] =	stream.strided.scatter [tilespmem:s14], [sflag:$0x2], $0x2000, s8, s12, $0x20;
	[tilespmem:$0x8080] =	vst v63  }
.LBB1_5:
0x1a: {  	s14 =	sadd.s32 $0x1, s9  }
0x1b: {  	s12 =	sadd.s32 $0x1000, s10;
	s16 =	smov.u32 s10;
	p2 =	sgt.s32 s14, $0xC7  }
0x1c: {  	s16 =	smov.u32 @p2 s12  }
0x1d: {  	s14 =	simm.s32 @p2 $0x0;
	p2 =	sgt.s32 s16, $0xFFF  }
0x1e: {  	s16 =	smov.u32 @p2 s2;
	p2 =	sne.s32 s11, s7  }
.Ltmp1:
0x1f: {  	p1 =	slt.u32 s11, $0x2;
	(pc) =	sbr.rel @!p2 .LBB1_6-.Ltmp1, $4  }
0x20: {  	s15 =	simm.s32 @!p1 $0x2  }
0x21: {  	s13 =	smov.u32 s9;
	p0 =	por !p0, !p0;
	_ =	swait.ge @!p1 [sflag:s15], $0x2000  }
0x22: {  	s12 =	smov.u32 s10;
	[sflag:s15] =	ssyncset.done @!p1 $0x0;
	s9 =	smov.u32 s14  }
0x23: {  	s11 =	sadd.s32 $0x1, s11;
	[sflag:s15] =	ssyncadd.s32 @!p1 $0xFFFFE000;
	s10 =	smov.u32 s16  }
.LBB1_1:
0x24: {  	p1 =	sge.u32 s11, s4  }
0x25: {  	s14 =	sand.u32 @!p1 $0x1FFFFFF, s9  }
0x26: {  	s15 =	smulhi.u32 @!p1 $0x147AE15, s14;
	_ =	sdelay $0x1  }
0x27: {  	s15 =	smul.u32 @!p1 $0xC8, s15  }
0x28: {  	s16 =	sxor.u32 @!p1 $0xFFFFFFFF, s11;
	s17 =	smul.u32 @!p1 $0xC80, s10  }
0x29: {  	s31 =	sadd.s32 $0xFFFFFFFF, s11;
	s16 =	sshll.u32 @!p1 s16, $0xD;
	s14 =	ssub.s32 @!p1 s14, s15  }
0x2a: {  	s15 =	sand.u32 @!p1 $0x2000, s16;
	s16 =	sadd.s32 @!p1 s5, s17;
	s14 =	sshll.u32 @!p1 s14, $0x4  }
0x2b: {  	s17 =	simm.s32 @!p1 $0x6400;
	s14 =	sadd.s32 @!p1 s14, s16;
	s16 =	simm.s32 @!p1 $0x40  }
0x2c: {  	[tilespmem:s15], [sflag:$0x1] =	stream.strided.gather @!p1 [hbm4b:s14+s16], $0x2000, s17, s16, $0x38;
	[tilespmem:$0x8080] =	vst v63  }
0x2d: {  	p1 =	sge.u32 s31, s4  }
.Ltmp2:
0x2e: {  	_ = 	snop;
	(pc) =	sbr.rel @p1 .LBB1_5-.Ltmp2, $1  }
0x2f: {  	_ =	sdelay $0x3  }
0x30: {  	s14 =	simm.s32 $0x1  }
0x31: {  	_ =	swait.ge [sflag:s3], $0x2000;
	s14 =	simm.s32 @!p0 $0x0  }
0x32: {  	[sflag:s3] =	ssyncset.done $0x0;
	s15 =	sshll.u32 s14, $0xD  }
0x33: {  	[sflag:s3] =	ssyncadd.s32 $0xFFFFE000;
	s18 =	sor.u32 $0x20, s15  }
0x34: {  	s14 =	smul.u32 $0x8100, s14;
	v3 =	vld [tilespmem:s18+$0x10]  }
0x35: {  	s30 =	sand.u32 $0x1, s11;
	v2 =	vld [tilespmem:s18+$0xFFFFFFF0]  }
0x36: {  	s15 =	smul.u32 $0x8100, s30;
	s14 =	sshrl.u32 s14, $0x2;
	v0 =	vld [tilespmem:s18+$0x0]  }
0x37: {  	v1 =	vld [tilespmem:s18+$0xFFFFFFE0];
	s16 =	sor.u32 $0x4000, s14  }
0x38: {  	s31 =	sshrl.u32 s15, $0x2;
	s15 =	sadd.s32 $0x0, s16  }
0x39: {  	s17 =	simm.s32 $0x4;
	s18 =	sadd.s32 $0x40, s18;
	s14 =	sor.u32 $0x4000, s31;
	[tilespmem:s15+$0x1830 ss:$0x81] =	vst.msk $0xffff, v3  }
.LBB1_3:
0x3a: {  	v3 =	vld [tilespmem:s18+$0x10];
	p1 =	sne.s32 s17, $0x1FC;
	[tilespmem:s15+$0x810 ss:$0x81] =	vst.msk $0xffff, v2;
	s19 =	smov.u32 s17;
	s17 =	sadd.s32 $0x4, s17  }
.Ltmp3:
0x3b: {  	v2 =	vld [tilespmem:s18+$0xFFFFFFF0];
	[tilespmem:s15+$0x1020 ss:$0x81] =	vst.msk $0xffff, v0;
	(pc) =	sbr.rel @p1 .LBB1_3-.Ltmp3, $4  }
0x3c: {  	v0 =	vld [tilespmem:s18+$0x0];
	[tilespmem:s15+$0x0 ss:$0x81] =	vst.msk $0xffff, v1  }
0x3d: {  	s15 =	sshra.s32 s19, $0x2;
	v1 =	vld [tilespmem:s18+$0xFFFFFFE0]  }
0x3e: {  	s15 =	sadd.s32 s15, s16  }
0x3f: {  	s18 =	sadd.s32 $0x40, s18;
	[tilespmem:s15+$0x1830 ss:$0x81] =	vst.msk $0xffff, v3  }
.Ltmp4:
0x40: {  	_ = 	snop;
	(pc) =	sbr.rel .LBB1_4-.Ltmp4, $1  }
0x41: {  	_ =	sdelay $0x3  }
.LBB1_6:
0x42: {  	_ =	sfence.sel $0x180000  }
0x43: {  	s2 =	simm.s32 $0x1;
	[bflag:$0x0] =	sbarrier.arrive $0xFFFF  }
0x44: {  	s31 =	simm.s32 $0x2;
	[sflag:s2] =	ssyncpa.u1 $0x1  }
0x45: {  	[sflag:s31] =	ssyncpa.u1 $0x1  }
0x46: {  	p0 =	sne.s32 s0, $0x0;
	_ =	strace $0x9000004D  }
0x47: {  	s0 =	sadd.s32 @!p0 $0x100000, s1;
	[bflag:$0x2] =	sbarrier.arrive $0xFFFF  }
0x48: {  	[sflag:s0] =	ssyncadd.tile.s32 @!p0 $0x1;
	_ =	shalt  }
.Lfunc_end1:
_tile_overlayer_lowered:
.L_overlay_start_2:
0x49: {  	(tag) =	ssettag $0x2  }
0x4a: {  	s0 =	rddreg [dreg:$0x0];
	s2 =	stileid.u32  }
0x4b: {  	s1 =	rddreg [dreg:$0x1];
	p0 =	sne.s32 s2, $0x0  }
0x4c: {  	s3 =	rddreg [dreg:$0x2];
	[bflag:$0x3] =	sbarrier.arrive $0xFFFF;
	s2 =	simm.s32 @!p0 $0x1C01  }
0x4d: {  	[timem:s3], [sflag:s2] =	dma.local @!p0 [hbm:s0], s1  }
0x4e: {  	s0 =	simm.s32 @!p0 $0x1  }
0x4f: {  	_ =	swait.ge @!p0 [sflag:s0], s1  }
0x50: {  	s1 =	ssub.s32 @!p0 $0x0, s1;
	[sflag:s0] =	ssyncset.done @!p0 $0x0  }
0x51: {  	[sflag:s0] =	ssyncadd.s32 @!p0 s1  }
0x52: {  	[bflag:$0x3] =	sbarrier.arrive $0xFFFF  }
0x53: {  	_ =	shalt  }

</sc_bundles>
